<compile_context>
chip_gen: v7x
topology: tpu7x:2x2x1
jax: 0.10.2.dev20260603
libtpu: 0.0.44.dev20260713+nightly
codegen_flags: <defaults>
</compile_context>

<pallas_src>
import jax
import jax.numpy as jnp
from jax import lax
from jax.experimental import pallas as pl
from jax.experimental.pallas import tpu as pltpu
from jax.experimental.pallas import tpu_sc as plsc

SEQ_LEN = 512
START = 0
END = 2
PAD = 1
B, L = 4096, 384
B_SC = 3072
B_TC = B - B_SC
BUDGET = SEQ_LEN - 4
FAIR0 = (BUDGET + 1) // 2
FAIR1 = BUDGET // 2

NC = 2
NS = 16
LANES = 16
NW = NC * NS
ROWS_PER_W = B_SC // NW
ROW_BLK = 16
N_BLKS = ROWS_PER_W // ROW_BLK
N_CHUNKS = SEQ_LEN // LANES
OUTBLK = ROW_BLK * SEQ_LEN

SPECIAL = 16
S0OFF = SPECIAL
S1OFF = S0OFF + ROWS_PER_W * L
COMB = S1OFF + ROWS_PER_W * L


BLK_L = ROW_BLK * L


def _body(seg0_hbm, seg1_hbm, len0_hbm, len1_hbm, out_hbm,
          comb_v, l0_v, l1_v, k_v, outblk_v,
          out_sem0, out_sem1, in_sem0, in_sem1):
    wid = lax.axis_index("s") * NC + lax.axis_index("c")
    base = wid * ROWS_PER_W

    def in_copy(blk, parity, seg_hbm, off):
        return pltpu.make_async_copy(
            seg_hbm.at[pl.ds((base + blk * ROW_BLK) * L, BLK_L)],
            comb_v.at[pl.ds(off + blk * BLK_L, BLK_L)],
            in_sem0 if parity == 0 else in_sem1)

    in_copy(0, 0, seg0_hbm, S0OFF).start()
    in_copy(0, 0, seg1_hbm, S1OFF).start()
    in_copy(1, 1, seg0_hbm, S0OFF).start()
    in_copy(1, 1, seg1_hbm, S1OFF).start()

    pltpu.sync_copy(len0_hbm.at[pl.ds(base, ROWS_PER_W)], l0_v)
    pltpu.sync_copy(len1_hbm.at[pl.ds(base, ROWS_PER_W)], l1_v)

    iota = lax.iota(jnp.int32, LANES)
    comb_v[pl.ds(0, LANES)] = jnp.where(
        iota == 0, PAD, jnp.where(iota == 1, END,
                                  jnp.where(iota == 2, START, PAD)))

    def precomp(c, _):
        lv0 = l0_v[pl.ds(c * LANES, LANES)]
        lv1 = l1_v[pl.ds(c * LANES, LANES)]
        k0 = jnp.minimum(lv0, jnp.maximum(FAIR0, BUDGET - lv1))
        k1 = jnp.minimum(lv1, jnp.maximum(FAIR1, BUDGET - lv0))
        k_v[pl.ds(c * LANES, LANES)] = k0
        k_v[pl.ds(ROWS_PER_W + c * LANES, LANES)] = k0 + 2
        k_v[pl.ds(2 * ROWS_PER_W + c * LANES, LANES)] = k1
        k_v[pl.ds(3 * ROWS_PER_W + c * LANES, LANES)] = k0 + 3 + k1
        return 0

    lax.fori_loop(0, ROWS_PER_W // LANES, precomp, 0)

    padidx = jnp.full((LANES,), 0, jnp.int32)
    endidx = jnp.full((LANES,), 1, jnp.int32)
    startidx = jnp.full((LANES,), 2, jnp.int32)

    def blk_copy(blk, parity):
        buf = parity * OUTBLK
        return pltpu.make_async_copy(
            outblk_v.at[pl.ds(buf, OUTBLK)],
            out_hbm.at[pl.ds((base + blk * ROW_BLK) * SEQ_LEN, OUTBLK)],
            out_sem0 if parity == 0 else out_sem1)

    def do_row(bufrow, r, _):
        rv = jnp.full((LANES,), r, jnp.int32)
        k0v = plsc.load_gather(k_v, [rv])
        k03m1v = plsc.load_gather(k_v, [rv + ROWS_PER_W])
        k1v = plsc.load_gather(k_v, [rv + 2 * ROWS_PER_W])
        tv = plsc.load_gather(k_v, [rv + 3 * ROWS_PER_W])
        rl = r * L
        s0bv = jnp.full((LANES,), S0OFF + rl, jnp.int32)
        s1bv = jnp.full((LANES,), S1OFF + rl, jnp.int32)

        jm1 = iota - 1
        rel1 = jm1 - k03m1v
        in0 = jm1.astype(jnp.uint32) < k0v.astype(jnp.uint32)
        in1 = rel1.astype(jnp.uint32) < k1v.astype(jnp.uint32)
        padc = jm1.astype(jnp.uint32) >= tv.astype(jnp.uint32)
        idx = jnp.where(in0, jm1 + s0bv,
                        jnp.where(in1, rel1 + s1bv,
                                  jnp.where(iota == 0, startidx,
                                            jnp.where(padc, padidx, endidx))))
        outblk_v[pl.ds(bufrow * SEQ_LEN, LANES)] = plsc.load_gather(comb_v, [idx])

        def chunk(c, carry, k0v=k0v, k03m1v=k03m1v, k1v=k1v, tv=tv,
                  s0bv=s0bv, s1bv=s1bv, bufrow=bufrow):
            jm1, = carry
            rel1 = jm1 - k03m1v
            in0 = jm1.astype(jnp.uint32) < k0v.astype(jnp.uint32)
            in1 = rel1.astype(jnp.uint32) < k1v.astype(jnp.uint32)
            padc = jm1.astype(jnp.uint32) >= tv.astype(jnp.uint32)
            idx = jnp.where(in0, jm1 + s0bv,
                            jnp.where(in1, rel1 + s1bv,
                                      jnp.where(padc, padidx, endidx)))
            outblk_v[pl.ds(bufrow * SEQ_LEN + c * LANES, LANES)] = (
                plsc.load_gather(comb_v, [idx]))
            return (jm1 + LANES,)

        lax.fori_loop(1, N_CHUNKS, chunk, (iota + LANES - 1,), unroll=4)
        return 0

    def do_blk(dblk, parity, _):
        blk = dblk * 2 + parity

        in_copy(blk, parity, seg0_hbm, S0OFF).wait()
        in_copy(blk, parity, seg1_hbm, S1OFF).wait()

        @pl.when(blk + 2 < N_BLKS)
        def _():
            in_copy(blk + 2, parity, seg0_hbm, S0OFF).start()
            in_copy(blk + 2, parity, seg1_hbm, S1OFF).start()

        @pl.when(blk >= 2)
        def _():
            blk_copy(blk - 2, parity).wait()

        bufbase_row = parity * ROW_BLK

        def row_body(r16, _):
            return do_row(bufbase_row + r16, blk * ROW_BLK + r16, None)

        lax.fori_loop(0, ROW_BLK, row_body, 0)
        blk_copy(blk, parity).start()
        return 0

    def do_dblk(dblk, _):
        do_blk(dblk, 0, None)
        do_blk(dblk, 1, None)
        return 0

    lax.fori_loop(0, N_BLKS // 2, do_dblk, 0)
    blk_copy(N_BLKS - 2, 0).wait()
    blk_copy(N_BLKS - 1, 1).wait()






ROWB = 256


def _tc_body(s0_ref, s1_ref, l0_ref, l1_ref, o_ref):
    l0 = l0_ref[...].astype(jnp.int32)
    l1 = l1_ref[...].astype(jnp.int32)
    k0 = jnp.minimum(l0, jnp.maximum(FAIR0, BUDGET - l1))
    k1 = jnp.minimum(l1, jnp.maximum(FAIR1, BUDGET - l0))
    k03 = k0 + 3
    t = k03 + k1

    j = lax.broadcasted_iota(jnp.int32, (ROWB, SEQ_LEN), 1)
    zpad = jnp.zeros((ROWB, SEQ_LEN - L), jnp.int32)
    s0p = jnp.concatenate([s0_ref[...], zpad], axis=1)
    s1p = jnp.concatenate([s1_ref[...], zpad], axis=1)

    g0 = pltpu.roll(s0p, 1, 1)
    x = s1p
    for b in range(9):
        rolled = pltpu.roll(x, 1 << b, 1)
        x = jnp.where((k03 >> b) & 1 == 1, rolled, x)
    g1 = x

    out = jnp.where(
        j <= k0, g0,
        jnp.where(j < k03, END,
                  jnp.where(j < t, g1,
                            jnp.where(j == t, END, PAD))))
    out = jnp.where(j == 0, START, out)
    o_ref[...] = out.astype(s0_ref.dtype)


def tc_pack(seg0, seg1, len0, len1, *, interpret=False):
    rows = seg0.shape[0]
    grid = (rows // ROWB,)
    return pl.pallas_call(
        _tc_body,
        grid=grid,
        in_specs=[
            pl.BlockSpec((ROWB, L), lambda i: (i, 0)),
            pl.BlockSpec((ROWB, L), lambda i: (i, 0)),
            pl.BlockSpec((ROWB, 1), lambda i: (i, 0)),
            pl.BlockSpec((ROWB, 1), lambda i: (i, 0)),
        ],
        out_specs=pl.BlockSpec((ROWB, SEQ_LEN), lambda i: (i, 0)),
        out_shape=jax.ShapeDtypeStruct((rows, SEQ_LEN), seg0.dtype),
        interpret=interpret,
    )(seg0, seg1, len0.reshape(-1, 1), len1.reshape(-1, 1))


@jax.jit
def kernel(seg0, seg1, len0, len1):
    mesh = plsc.VectorSubcoreMesh(
        core_axis_name="c", subcore_axis_name="s", num_cores=NC, num_subcores=NS)
    f = pl.kernel(
        _body,
        out_type=jax.ShapeDtypeStruct((B * SEQ_LEN,), jnp.int32),
        mesh=mesh,
        compiler_params=pltpu.CompilerParams(needs_layout_passes=False),
        scratch_types=[
            pltpu.VMEM((COMB,), jnp.int32),
            pltpu.VMEM((ROWS_PER_W,), jnp.int32),
            pltpu.VMEM((ROWS_PER_W,), jnp.int32),
            pltpu.VMEM((4 * ROWS_PER_W,), jnp.int32),
            pltpu.VMEM((2 * OUTBLK,), jnp.int32),
            pltpu.SemaphoreType.DMA,
            pltpu.SemaphoreType.DMA,
            pltpu.SemaphoreType.DMA,
            pltpu.SemaphoreType.DMA,
        ],
    )
    sc_out = f(seg0[:B_SC].reshape(B_SC * L), seg1[:B_SC].reshape(B_SC * L),
               len0[:B_SC], len1[:B_SC]).reshape(B, SEQ_LEN)
    tc_out = tc_pack(seg0[B_SC:], seg1[B_SC:], len0[B_SC:], len1[B_SC:])
    return jax.lax.dynamic_update_slice(sc_out, tc_out, (B_SC, 0))

# --- scband reference (transcript-rebuilt; emitter-appended) ---
"""Pipeline reference for scband-roberta-multi-segment-packer-91070486545100 (READ-ONLY COPY).

The authoritative reference and input builder live on the scoring server;
editing this copy changes nothing except your own understanding.
"""

import jax, jax.numpy as jnp
import numpy as np

SEQ_LEN = 512
START = 0
END = 2
PAD = 1
VOCAB = 50265
B, L = 4096, 384


def setup_inputs(seed: int = 0) -> dict:
    key = jax.random.key(seed)
    k0, k1, k2, k3 = jax.random.split(key, 4)
    seg0 = jax.random.randint(k0, (B, L), 0, VOCAB, dtype=jnp.int32)
    seg1 = jax.random.randint(k1, (B, L), 0, VOCAB, dtype=jnp.int32)
    len0 = jax.random.randint(k2, (B,), 0, 385, dtype=jnp.int32)
    len1 = jax.random.randint(k3, (B,), 0, 385, dtype=jnp.int32)
    return {"seg0": seg0, "seg1": seg1, "len0": len0, "len1": len1}


def reference(seg0, seg1, len0, len1):
    # RobertaMultiSegmentPacker with 2 segments, round_robin truncation.
    # num_special_tokens = 2 * num_segments = 4
    budget = SEQ_LEN - 4
    fair0 = (budget + 1) // 2
    fair1 = budget // 2
    # Round-robin trim for 2 segments: each segment gets its fair share;
    # unused capacity of a short segment spills over to the other.
    k0 = jnp.minimum(len0, jnp.maximum(fair0, budget - len1))
    k1 = jnp.minimum(len1, jnp.maximum(fair1, budget - len0))
    k0c = k0[:, None].astype(jnp.int32)
    k1c = k1[:, None].astype(jnp.int32)
    j = jnp.arange(SEQ_LEN, dtype=jnp.int32)[None, :]  # [1, S]
    # gather candidate tokens for each output position (SparseCore-style gather)
    idx0 = jnp.clip(j - 1, 0, L - 1)
    idx0 = jnp.broadcast_to(idx0, (B, SEQ_LEN))
    g0 = jnp.take_along_axis(seg0, idx0, axis=1)
    idx1 = jnp.clip(j - (k0c + 3), 0, L - 1)
    g1 = jnp.take_along_axis(seg1, idx1, axis=1)
    out = jnp.full((B, SEQ_LEN), PAD, dtype=seg0.dtype)
    # layout: [START] seg0[:k0] [END END] seg1[:k1] [END] PAD...
    out = jnp.where(j == (k0c + 3 + k1c), jnp.asarray(END, seg0.dtype), out)
    out = jnp.where((j >= (k0c + 3)) & (j < (k0c + 3 + k1c)), g1, out)
    out = jnp.where((j == (k0c + 1)) | (j == (k0c + 2)), jnp.asarray(END, seg0.dtype), out)
    out = jnp.where((j >= 1) & (j <= k0c), g0, out)
    out = jnp.where(j == 0, jnp.asarray(START, seg0.dtype), out)
    return out

if __name__ == "__main__":
    import jax
    _d = setup_inputs()
    print(jax.jit(kernel)(*tuple(_d.values())))

</pallas_src>

<mosaic_0001>
#map = affine_map<(d0, d1) -> (0)>
module attributes {stable_mosaic.version = 14 : i64} {
  func.func @_body(%arg0: i32, %arg1: i32, %arg2: memref<1179648xi32, #tpu.memory_space<hbm>>, %arg3: memref<1179648xi32, #tpu.memory_space<hbm>>, %arg4: memref<3072xi32, #tpu.memory_space<hbm>>, %arg5: memref<3072xi32, #tpu.memory_space<hbm>>, %arg6: memref<2097152xi32, #tpu.memory_space<hbm>>, %arg7: memref<73744xi32, #tpu.memory_space<vmem>>, %arg8: memref<96xi32, #tpu.memory_space<vmem>>, %arg9: memref<96xi32, #tpu.memory_space<vmem>>, %arg10: memref<384xi32, #tpu.memory_space<vmem>>, %arg11: memref<16384xi32, #tpu.memory_space<vmem>>, %arg12: memref<!tpu.dma_semaphore, #tpu.memory_space<semaphore_mem>>, %arg13: memref<!tpu.dma_semaphore, #tpu.memory_space<semaphore_mem>>, %arg14: memref<!tpu.dma_semaphore, #tpu.memory_space<semaphore_mem>>, %arg15: memref<!tpu.dma_semaphore, #tpu.memory_space<semaphore_mem>>) attributes {dimension_semantics = [#tpu.dimension_semantics<core_parallel>, #tpu.dimension_semantics<subcore_parallel>], iteration_bounds = array<i64: 2, 16>, scalar_prefetch = 0 : i64, scratch_operands = 9 : i64, tpu.core_type = #tpu.core_type<sc_vector_subcore>, window_params = [{transform_indices = #map}, {transform_indices = #map}, {transform_indices = #map}, {transform_indices = #map}, {transform_indices = #map}]} {
    %mul3A = arith.constant 2 : i32
    %mul3A_0 = arith.muli %arg1, %mul3A : i32
    %add3A = arith.addi %mul3A_0, %arg0 : i32
    %mul3A_1 = arith.constant 96 : i32
    %mul3A_2 = arith.muli %add3A, %mul3A_1 : i32
    %add3A_3 = arith.constant 0 : i32
    %add3A_4 = arith.addi %mul3A_2, %add3A_3 : i32
    %mul3A_5 = arith.constant 384 : i32
    %mul3A_6 = arith.muli %add3A_4, %mul3A_5 : i32
    %dma_start3A = arith.constant 16 : i32
    %dma_start3A_7 = tpu.memref_slice %arg7[%dma_start3A] : memref<73744xi32, #tpu.memory_space<vmem>> -> memref<6144xi32, #tpu.memory_space<vmem>>
    %dma_start3A_8 = tpu.memref_slice %arg2[%mul3A_6] : memref<1179648xi32, #tpu.memory_space<hbm>> -> memref<6144xi32, #tpu.memory_space<hbm>>
    %dma_start3A_9 = arith.constant 16 : i32
    %dma_start3A_10 = tpu.memref_slice %arg7[%dma_start3A_9] : memref<73744xi32, #tpu.memory_space<vmem>> -> memref<6144xi32, #tpu.memory_space<vmem>>
    %dma_start3A_11 = tpu.memref_slice %arg2[%mul3A_6] : memref<1179648xi32, #tpu.memory_space<hbm>> -> memref<6144xi32, #tpu.memory_space<hbm>>
    tpu.enqueue_dma source(%dma_start3A_11 : memref<6144xi32, #tpu.memory_space<hbm>>) target(%dma_start3A_10 : memref<6144xi32, #tpu.memory_space<vmem>>) target_semaphore(%arg14 : memref<!tpu.dma_semaphore, #tpu.memory_space<semaphore_mem>>)
    %add3A_12 = arith.constant 0 : i32
    %add3A_13 = arith.addi %mul3A_2, %add3A_12 : i32
    %mul3A_14 = arith.constant 384 : i32
    %mul3A_15 = arith.muli %add3A_13, %mul3A_14 : i32
    %dma_start3A_16 = arith.constant 36880 : i32
    %dma_start3A_17 = tpu.memref_slice %arg7[%dma_start3A_16] : memref<73744xi32, #tpu.memory_space<vmem>> -> memref<6144xi32, #tpu.memory_space<vmem>>
    %dma_start3A_18 = tpu.memref_slice %arg3[%mul3A_15] : memref<1179648xi32, #tpu.memory_space<hbm>> -> memref<6144xi32, #tpu.memory_space<hbm>>
    %dma_start3A_19 = arith.constant 36880 : i32
    %dma_start3A_20 = tpu.memref_slice %arg7[%dma_start3A_19] : memref<73744xi32, #tpu.memory_space<vmem>> -> memref<6144xi32, #tpu.memory_space<vmem>>
    %dma_start3A_21 = tpu.memref_slice %arg3[%mul3A_15] : memref<1179648xi32, #tpu.memory_space<hbm>> -> memref<6144xi32, #tpu.memory_space<hbm>>
    tpu.enqueue_dma source(%dma_start3A_21 : memref<6144xi32, #tpu.memory_space<hbm>>) target(%dma_start3A_20 : memref<6144xi32, #tpu.memory_space<vmem>>) target_semaphore(%arg14 : memref<!tpu.dma_semaphore, #tpu.memory_space<semaphore_mem>>)
    %add3A_22 = arith.constant 16 : i32
    %add3A_23 = arith.addi %mul3A_2, %add3A_22 : i32
    %mul3A_24 = arith.constant 384 : i32
    %mul3A_25 = arith.muli %add3A_23, %mul3A_24 : i32
    %dma_start3A_26 = arith.constant 6160 : i32
    %dma_start3A_27 = tpu.memref_slice %arg7[%dma_start3A_26] : memref<73744xi32, #tpu.memory_space<vmem>> -> memref<6144xi32, #tpu.memory_space<vmem>>
    %dma_start3A_28 = tpu.memref_slice %arg2[%mul3A_25] : memref<1179648xi32, #tpu.memory_space<hbm>> -> memref<6144xi32, #tpu.memory_space<hbm>>
    %dma_start3A_29 = arith.constant 6160 : i32
    %dma_start3A_30 = tpu.memref_slice %arg7[%dma_start3A_29] : memref<73744xi32, #tpu.memory_space<vmem>> -> memref<6144xi32, #tpu.memory_space<vmem>>
    %dma_start3A_31 = tpu.memref_slice %arg2[%mul3A_25] : memref<1179648xi32, #tpu.memory_space<hbm>> -> memref<6144xi32, #tpu.memory_space<hbm>>
    tpu.enqueue_dma source(%dma_start3A_31 : memref<6144xi32, #tpu.memory_space<hbm>>) target(%dma_start3A_30 : memref<6144xi32, #tpu.memory_space<vmem>>) target_semaphore(%arg15 : memref<!tpu.dma_semaphore, #tpu.memory_space<semaphore_mem>>)
    %add3A_32 = arith.constant 16 : i32
    %add3A_33 = arith.addi %mul3A_2, %add3A_32 : i32
    %mul3A_34 = arith.constant 384 : i32
    %mul3A_35 = arith.muli %add3A_33, %mul3A_34 : i32
    %dma_start3A_36 = arith.constant 43024 : i32
    %dma_start3A_37 = tpu.memref_slice %arg7[%dma_start3A_36] : memref<73744xi32, #tpu.memory_space<vmem>> -> memref<6144xi32, #tpu.memory_space<vmem>>
    %dma_start3A_38 = tpu.memref_slice %arg3[%mul3A_35] : memref<1179648xi32, #tpu.memory_space<hbm>> -> memref<6144xi32, #tpu.memory_space<hbm>>
    %dma_start3A_39 = arith.constant 43024 : i32
    %dma_start3A_40 = tpu.memref_slice %arg7[%dma_start3A_39] : memref<73744xi32, #tpu.memory_space<vmem>> -> memref<6144xi32, #tpu.memory_space<vmem>>
    %dma_start3A_41 = tpu.memref_slice %arg3[%mul3A_35] : memref<1179648xi32, #tpu.memory_space<hbm>> -> memref<6144xi32, #tpu.memory_space<hbm>>
    tpu.enqueue_dma source(%dma_start3A_41 : memref<6144xi32, #tpu.memory_space<hbm>>) target(%dma_start3A_40 : memref<6144xi32, #tpu.memory_space<vmem>>) target_semaphore(%arg15 : memref<!tpu.dma_semaphore, #tpu.memory_space<semaphore_mem>>)
    "tpu.region"() ({
      %run_scoped3A = tpu.sem_alloc : memref<!tpu.dma_semaphore, #tpu.memory_space<semaphore_mem>>
      %dma_start3A_97 = tpu.memref_slice %arg4[%mul3A_2] : memref<3072xi32, #tpu.memory_space<hbm>> -> memref<96xi32, #tpu.memory_space<hbm>>
      %dma_start3A_98 = tpu.memref_slice %arg4[%mul3A_2] : memref<3072xi32, #tpu.memory_space<hbm>> -> memref<96xi32, #tpu.memory_space<hbm>>
      tpu.enqueue_dma source(%dma_start3A_98 : memref<96xi32, #tpu.memory_space<hbm>>) target(%arg8 : memref<96xi32, #tpu.memory_space<vmem>>) target_semaphore(%run_scoped3A : memref<!tpu.dma_semaphore, #tpu.memory_space<semaphore_mem>>)
      %dma_wait3A_99 = tpu.memref_slice %arg4[%mul3A_2] : memref<3072xi32, #tpu.memory_space<hbm>> -> memref<96xi32, #tpu.memory_space<hbm>>
      %dma_wait3A_100 = tpu.memref_slice %arg4[%mul3A_2] : memref<3072xi32, #tpu.memory_space<hbm>> -> memref<96xi32, #tpu.memory_space<hbm>>
      tpu.wait_dma2 semaphore(%run_scoped3A : memref<!tpu.dma_semaphore, #tpu.memory_space<semaphore_mem>>) src(%dma_wait3A_100 : memref<96xi32, #tpu.memory_space<hbm>>) dst(%arg8 : memref<96xi32, #tpu.memory_space<vmem>>)
      tpu.yield
    }) : () -> ()
    "tpu.region"() ({
      %run_scoped3A = tpu.sem_alloc : memref<!tpu.dma_semaphore, #tpu.memory_space<semaphore_mem>>
      %dma_start3A_97 = tpu.memref_slice %arg5[%mul3A_2] : memref<3072xi32, #tpu.memory_space<hbm>> -> memref<96xi32, #tpu.memory_space<hbm>>
      %dma_start3A_98 = tpu.memref_slice %arg5[%mul3A_2] : memref<3072xi32, #tpu.memory_space<hbm>> -> memref<96xi32, #tpu.memory_space<hbm>>
      tpu.enqueue_dma source(%dma_start3A_98 : memref<96xi32, #tpu.memory_space<hbm>>) target(%arg9 : memref<96xi32, #tpu.memory_space<vmem>>) target_semaphore(%run_scoped3A : memref<!tpu.dma_semaphore, #tpu.memory_space<semaphore_mem>>)
      %dma_wait3A_99 = tpu.memref_slice %arg5[%mul3A_2] : memref<3072xi32, #tpu.memory_space<hbm>> -> memref<96xi32, #tpu.memory_space<hbm>>
      %dma_wait3A_100 = tpu.memref_slice %arg5[%mul3A_2] : memref<3072xi32, #tpu.memory_space<hbm>> -> memref<96xi32, #tpu.memory_space<hbm>>
      tpu.wait_dma2 semaphore(%run_scoped3A : memref<!tpu.dma_semaphore, #tpu.memory_space<semaphore_mem>>) src(%dma_wait3A_100 : memref<96xi32, #tpu.memory_space<hbm>>) dst(%arg9 : memref<96xi32, #tpu.memory_space<vmem>>)
      tpu.yield
    }) : () -> ()
    %iota3A = tpu.iota {dimensions = array<i32: 0>} : vector<16xi32>
    %eq3A = arith.constant 0 : i32
    %eq3A_42 = vector.broadcast %eq3A : i32 to vector<16xi32>
    %eq3A_43 = arith.cmpi eq, %iota3A, %eq3A_42 : vector<16xi32>
    %eq3A_44 = arith.constant 1 : i32
    %eq3A_45 = vector.broadcast %eq3A_44 : i32 to vector<16xi32>
    %eq3A_46 = arith.cmpi eq, %iota3A, %eq3A_45 : vector<16xi32>
    %eq3A_47 = arith.constant 2 : i32
    %eq3A_48 = vector.broadcast %eq3A_47 : i32 to vector<16xi32>
    %eq3A_49 = arith.cmpi eq, %iota3A, %eq3A_48 : vector<16xi32>
    %jit3A = arith.constant 0 : i32
    %jit3A_50 = arith.constant 1 : i32
    %broadcast_in_dim3A = vector.broadcast %jit3A : i32 to vector<16xi32>
    %broadcast_in_dim3A_51 = vector.broadcast %jit3A_50 : i32 to vector<16xi32>
    %select_n3A = arith.select %eq3A_49, %broadcast_in_dim3A, %broadcast_in_dim3A_51 : vector<16xi1>, vector<16xi32>
    %jit3A_52 = arith.constant 2 : i32
    %broadcast_in_dim3A_53 = vector.broadcast %jit3A_52 : i32 to vector<16xi32>
    %select_n3A_54 = arith.select %eq3A_46, %broadcast_in_dim3A_53, %select_n3A : vector<16xi1>, vector<16xi32>
    %jit3A_55 = arith.constant 1 : i32
    %broadcast_in_dim3A_56 = vector.broadcast %jit3A_55 : i32 to vector<16xi32>
    %select_n3A_57 = arith.select %eq3A_43, %broadcast_in_dim3A_56, %select_n3A_54 : vector<16xi1>, vector<16xi32>
    %swap3A = arith.constant 0 : index
    %swap3A_58 = tpu.vector_load %arg7[%swap3A] {strides = array<i32>} : memref<73744xi32, #tpu.memory_space<vmem>>, vector<16xi32>,
    tpu.vector_store %arg7[%swap3A], %select_n3A_57 {strides = array<i32>} : memref<73744xi32, #tpu.memory_space<vmem>>, vector<16xi32>,
    %scan3A = arith.constant 0 : i32
    %scan3A_59 = arith.constant 0 : i32
    %scan3A_60 = arith.constant 6 : i32
    %scan3A_61 = arith.addi %scan3A_59, %scan3A_60 : i32
    %scan3A_62 = arith.constant 1 : i32
    %scan3A_63 = scf.for %scan3A_97 = %scan3A_59 to %scan3A_61 step %scan3A_62 iter_args(%scan3A_98 = %scan3A) -> (i32)  : i32 {
      %mul3A_99 = arith.constant 16 : i32
      %mul3A_100 = arith.muli %scan3A_97, %mul3A_99 : i32
      %get3A = arith.index_cast %mul3A_100 : i32 to index
      %get3A_101 = tpu.vector_load %arg8[%get3A] {strides = array<i32>} : memref<96xi32, #tpu.memory_space<vmem>>, vector<16xi32>,
      %mul3A_102 = arith.constant 16 : i32
      %mul3A_103 = arith.muli %scan3A_97, %mul3A_102 : i32
      %get3A_104 = arith.index_cast %mul3A_103 : i32 to index
      %get3A_105 = tpu.vector_load %arg9[%get3A_104] {strides = array<i32>} : memref<96xi32, #tpu.memory_space<vmem>>, vector<16xi32>,
      %sub3A = arith.constant 508 : i32
      %sub3A_106 = vector.broadcast %sub3A : i32 to vector<16xi32>
      %sub3A_107 = arith.subi %sub3A_106, %get3A_105 : vector<16xi32>
      %max3A = arith.constant 254 : i32
      %max3A_108 = vector.broadcast %max3A : i32 to vector<16xi32>
      %max3A_109 = arith.maxsi %max3A_108, %sub3A_107 : vector<16xi32>
      %min3A = arith.minsi %get3A_101, %max3A_109 : vector<16xi32>
      %sub3A_110 = arith.constant 508 : i32
      %sub3A_111 = vector.broadcast %sub3A_110 : i32 to vector<16xi32>
      %sub3A_112 = arith.subi %sub3A_111, %get3A_101 : vector<16xi32>
      %max3A_113 = arith.constant 254 : i32
      %max3A_114 = vector.broadcast %max3A_113 : i32 to vector<16xi32>
      %max3A_115 = arith.maxsi %max3A_114, %sub3A_112 : vector<16xi32>
      %min3A_116 = arith.minsi %get3A_105, %max3A_115 : vector<16xi32>
      %mul3A_117 = arith.constant 16 : i32
      %mul3A_118 = arith.muli %scan3A_97, %mul3A_117 : i32
      %swap3A_119 = arith.index_cast %mul3A_118 : i32 to index
      %swap3A_120 = tpu.vector_load %arg10[%swap3A_119] {strides = array<i32>} : memref<384xi32, #tpu.memory_space<vmem>>, vector<16xi32>,
      tpu.vector_store %arg10[%swap3A_119], %min3A {strides = array<i32>} : memref<384xi32, #tpu.memory_space<vmem>>, vector<16xi32>,
      %add3A_121 = arith.constant 2 : i32
      %add3A_122 = vector.broadcast %add3A_121 : i32 to vector<16xi32>
      %add3A_123 = arith.addi %min3A, %add3A_122 : vector<16xi32>
      %mul3A_124 = arith.constant 16 : i32
      %mul3A_125 = arith.muli %scan3A_97, %mul3A_124 : i32
      %add3A_126 = arith.constant 96 : i32
      %add3A_127 = arith.addi %add3A_126, %mul3A_125 : i32
      %swap3A_128 = arith.index_cast %add3A_127 : i32 to index
      %swap3A_129 = tpu.vector_load %arg10[%swap3A_128] {strides = array<i32>} : memref<384xi32, #tpu.memory_space<vmem>>, vector<16xi32>,
      tpu.vector_store %arg10[%swap3A_128], %add3A_123 {strides = array<i32>} : memref<384xi32, #tpu.memory_space<vmem>>, vector<16xi32>,
      %mul3A_130 = arith.constant 16 : i32
      %mul3A_131 = arith.muli %scan3A_97, %mul3A_130 : i32
      %add3A_132 = arith.constant 192 : i32
      %add3A_133 = arith.addi %add3A_132, %mul3A_131 : i32
      %swap3A_134 = arith.index_cast %add3A_133 : i32 to index
      %swap3A_135 = tpu.vector_load %arg10[%swap3A_134] {strides = array<i32>} : memref<384xi32, #tpu.memory_space<vmem>>, vector<16xi32>,
      tpu.vector_store %arg10[%swap3A_134], %min3A_116 {strides = array<i32>} : memref<384xi32, #tpu.memory_space<vmem>>, vector<16xi32>,
      %add3A_136 = arith.constant 3 : i32
      %add3A_137 = vector.broadcast %add3A_136 : i32 to vector<16xi32>
      %add3A_138 = arith.addi %min3A, %add3A_137 : vector<16xi32>
      %add3A_139 = arith.addi %add3A_138, %min3A_116 : vector<16xi32>
      %mul3A_140 = arith.constant 16 : i32
      %mul3A_141 = arith.muli %scan3A_97, %mul3A_140 : i32
      %add3A_142 = arith.constant 288 : i32
      %add3A_143 = arith.addi %add3A_142, %mul3A_141 : i32
      %swap3A_144 = arith.index_cast %add3A_143 : i32 to index
      %swap3A_145 = tpu.vector_load %arg10[%swap3A_144] {strides = array<i32>} : memref<384xi32, #tpu.memory_space<vmem>>, vector<16xi32>,
      tpu.vector_store %arg10[%swap3A_144], %add3A_139 {strides = array<i32>} : memref<384xi32, #tpu.memory_space<vmem>>, vector<16xi32>,
      %scan3A_146 = arith.constant 0 : i32
      scf.yield %scan3A_146 : i32
    }
    %scan3A_64 = arith.constant 6 : i32
    %broadcast_in_dim3A_65 = arith.constant 0 : i32
    %broadcast_in_dim3A_66 = vector.broadcast %broadcast_in_dim3A_65 : i32 to vector<16xi32>
    %broadcast_in_dim3A_67 = arith.constant 1 : i32
    %broadcast_in_dim3A_68 = vector.broadcast %broadcast_in_dim3A_67 : i32 to vector<16xi32>
    %broadcast_in_dim3A_69 = arith.constant 2 : i32
    %broadcast_in_dim3A_70 = vector.broadcast %broadcast_in_dim3A_69 : i32 to vector<16xi32>
    %scan3A_71 = arith.constant 0 : i32
    %scan3A_72 = arith.constant 0 : i32
    %scan3A_73 = arith.constant 3 : i32
    %scan3A_74 = arith.addi %scan3A_72, %scan3A_73 : i32
    %scan3A_75 = arith.constant 1 : i32
    %scan3A_76 = scf.for %scan3A_97 = %scan3A_72 to %scan3A_74 step %scan3A_75 iter_args(%scan3A_98 = %scan3A_71) -> (i32)  : i32 {
      %mul3A_99 = arith.constant 2 : i32
      %mul3A_100 = arith.muli %scan3A_97, %mul3A_99 : i32
      %add3A_101 = arith.constant 0 : i32
      %add3A_102 = arith.addi %mul3A_100, %add3A_101 : i32
      %mul3A_103 = arith.constant 16 : i32
      %mul3A_104 = arith.muli %add3A_102, %mul3A_103 : i32
      %add3A_105 = arith.addi %mul3A_2, %mul3A_104 : i32
      %mul3A_106 = arith.constant 384 : i32
      %mul3A_107 = arith.muli %add3A_105, %mul3A_106 : i32
      %mul3A_108 = arith.constant 6144 : i32
      %mul3A_109 = arith.muli %add3A_102, %mul3A_108 : i32
      %add3A_110 = arith.constant 16 : i32
      %add3A_111 = arith.addi %add3A_110, %mul3A_109 : i32
      %dma_wait3A_112 = tpu.memref_slice %arg7[%add3A_111] : memref<73744xi32, #tpu.memory_space<vmem>> -> memref<6144xi32, #tpu.memory_space<vmem>>
      %dma_wait3A_113 = tpu.memref_slice %arg2[%mul3A_107] : memref<1179648xi32, #tpu.memory_space<hbm>> -> memref<6144xi32, #tpu.memory_space<hbm>>
      %dma_wait3A_114 = tpu.memref_slice %arg7[%add3A_111] : memref<73744xi32, #tpu.memory_space<vmem>> -> memref<6144xi32, #tpu.memory_space<vmem>>
      %dma_wait3A_115 = tpu.memref_slice %arg2[%mul3A_107] : memref<1179648xi32, #tpu.memory_space<hbm>> -> memref<6144xi32, #tpu.memory_space<hbm>>
      tpu.wait_dma2 semaphore(%arg14 : memref<!tpu.dma_semaphore, #tpu.memory_space<semaphore_mem>>) src(%dma_wait3A_115 : memref<6144xi32, #tpu.memory_space<hbm>>) dst(%dma_wait3A_114 : memref<6144xi32, #tpu.memory_space<vmem>>)
      %mul3A_116 = arith.constant 16 : i32
      %mul3A_117 = arith.muli %add3A_102, %mul3A_116 : i32
      %add3A_118 = arith.addi %mul3A_2, %mul3A_117 : i32
      %mul3A_119 = arith.constant 384 : i32
      %mul3A_120 = arith.muli %add3A_118, %mul3A_119 : i32
      %mul3A_121 = arith.constant 6144 : i32
      %mul3A_122 = arith.muli %add3A_102, %mul3A_121 : i32
      %add3A_123 = arith.constant 36880 : i32
      %add3A_124 = arith.addi %add3A_123, %mul3A_122 : i32
      %dma_wait3A_125 = tpu.memref_slice %arg7[%add3A_124] : memref<73744xi32, #tpu.memory_space<vmem>> -> memref<6144xi32, #tpu.memory_space<vmem>>
      %dma_wait3A_126 = tpu.memref_slice %arg3[%mul3A_120] : memref<1179648xi32, #tpu.memory_space<hbm>> -> memref<6144xi32, #tpu.memory_space<hbm>>
      %dma_wait3A_127 = tpu.memref_slice %arg7[%add3A_124] : memref<73744xi32, #tpu.memory_space<vmem>> -> memref<6144xi32, #tpu.memory_space<vmem>>
      %dma_wait3A_128 = tpu.memref_slice %arg3[%mul3A_120] : memref<1179648xi32, #tpu.memory_space<hbm>> -> memref<6144xi32, #tpu.memory_space<hbm>>
      tpu.wait_dma2 semaphore(%arg14 : memref<!tpu.dma_semaphore, #tpu.memory_space<semaphore_mem>>) src(%dma_wait3A_128 : memref<6144xi32, #tpu.memory_space<hbm>>) dst(%dma_wait3A_127 : memref<6144xi32, #tpu.memory_space<vmem>>)
      %add3A_129 = arith.constant 2 : i32
      %add3A_130 = arith.addi %add3A_102, %add3A_129 : i32
      %lt3A = arith.constant 6 : i32
      %lt3A_131 = arith.cmpi slt, %add3A_130, %lt3A : i32
      %convert_element_type3A = arith.extui %lt3A_131 : i1 to i32
      %cond3A = arith.constant 0 : i32
      %cond3A_132 = arith.cmpi ne, %convert_element_type3A, %cond3A : i32
      scf.if %cond3A_132 {
        %add3A_216 = arith.constant 2 : i32
        %add3A_217 = arith.addi %add3A_102, %add3A_216 : i32
        %mul3A_218 = arith.constant 16 : i32
        %mul3A_219 = arith.muli %add3A_217, %mul3A_218 : i32
        %add3A_220 = arith.addi %mul3A_2, %mul3A_219 : i32
        %mul3A_221 = arith.constant 384 : i32
        %mul3A_222 = arith.muli %add3A_220, %mul3A_221 : i32
        %mul3A_223 = arith.constant 6144 : i32
        %mul3A_224 = arith.muli %add3A_217, %mul3A_223 : i32
        %add3A_225 = arith.constant 16 : i32
        %add3A_226 = arith.addi %add3A_225, %mul3A_224 : i32
        %dma_start3A_227 = tpu.memref_slice %arg7[%add3A_226] : memref<73744xi32, #tpu.memory_space<vmem>> -> memref<6144xi32, #tpu.memory_space<vmem>>
        %dma_start3A_228 = tpu.memref_slice %arg2[%mul3A_222] : memref<1179648xi32, #tpu.memory_space<hbm>> -> memref<6144xi32, #tpu.memory_space<hbm>>
        %dma_start3A_229 = tpu.memref_slice %arg7[%add3A_226] : memref<73744xi32, #tpu.memory_space<vmem>> -> memref<6144xi32, #tpu.memory_space<vmem>>
        %dma_start3A_230 = tpu.memref_slice %arg2[%mul3A_222] : memref<1179648xi32, #tpu.memory_space<hbm>> -> memref<6144xi32, #tpu.memory_space<hbm>>
        tpu.enqueue_dma source(%dma_start3A_230 : memref<6144xi32, #tpu.memory_space<hbm>>) target(%dma_start3A_229 : memref<6144xi32, #tpu.memory_space<vmem>>) target_semaphore(%arg14 : memref<!tpu.dma_semaphore, #tpu.memory_space<semaphore_mem>>)
        %add3A_231 = arith.constant 2 : i32
        %add3A_232 = arith.addi %add3A_102, %add3A_231 : i32
        %mul3A_233 = arith.constant 16 : i32
        %mul3A_234 = arith.muli %add3A_232, %mul3A_233 : i32
        %add3A_235 = arith.addi %mul3A_2, %mul3A_234 : i32
        %mul3A_236 = arith.constant 384 : i32
        %mul3A_237 = arith.muli %add3A_235, %mul3A_236 : i32
        %mul3A_238 = arith.constant 6144 : i32
        %mul3A_239 = arith.muli %add3A_232, %mul3A_238 : i32
        %add3A_240 = arith.constant 36880 : i32
        %add3A_241 = arith.addi %add3A_240, %mul3A_239 : i32
        %dma_start3A_242 = tpu.memref_slice %arg7[%add3A_241] : memref<73744xi32, #tpu.memory_space<vmem>> -> memref<6144xi32, #tpu.memory_space<vmem>>
        %dma_start3A_243 = tpu.memref_slice %arg3[%mul3A_237] : memref<1179648xi32, #tpu.memory_space<hbm>> -> memref<6144xi32, #tpu.memory_space<hbm>>
        %dma_start3A_244 = tpu.memref_slice %arg7[%add3A_241] : memref<73744xi32, #tpu.memory_space<vmem>> -> memref<6144xi32, #tpu.memory_space<vmem>>
        %dma_start3A_245 = tpu.memref_slice %arg3[%mul3A_237] : memref<1179648xi32, #tpu.memory_space<hbm>> -> memref<6144xi32, #tpu.memory_space<hbm>>
        tpu.enqueue_dma source(%dma_start3A_245 : memref<6144xi32, #tpu.memory_space<hbm>>) target(%dma_start3A_244 : memref<6144xi32, #tpu.memory_space<vmem>>) target_semaphore(%arg14 : memref<!tpu.dma_semaphore, #tpu.memory_space<semaphore_mem>>)
      } else {
      }
      %ge3A = arith.constant 2 : i32
      %ge3A_133 = arith.cmpi sge, %add3A_102, %ge3A : i32
      %convert_element_type3A_134 = arith.extui %ge3A_133 : i1 to i32
      %cond3A_135 = arith.constant 0 : i32
      %cond3A_136 = arith.cmpi ne, %convert_element_type3A_134, %cond3A_135 : i32
      scf.if %cond3A_136 {
        %sub3A = arith.constant 2 : i32
        %sub3A_216 = arith.subi %add3A_102, %sub3A : i32
        %mul3A_217 = arith.constant 16 : i32
        %mul3A_218 = arith.muli %sub3A_216, %mul3A_217 : i32
        %add3A_219 = arith.addi %mul3A_2, %mul3A_218 : i32
        %mul3A_220 = arith.constant 512 : i32
        %mul3A_221 = arith.muli %add3A_219, %mul3A_220 : i32
        %dma_wait3A_222 = arith.constant 0 : i32
        %dma_wait3A_223 = tpu.memref_slice %arg11[%dma_wait3A_222] : memref<16384xi32, #tpu.memory_space<vmem>> -> memref<8192xi32, #tpu.memory_space<vmem>>
        %dma_wait3A_224 = tpu.memref_slice %arg6[%mul3A_221] : memref<2097152xi32, #tpu.memory_space<hbm>> -> memref<8192xi32, #tpu.memory_space<hbm>>
        %dma_wait3A_225 = tpu.memref_slice %arg6[%mul3A_221] : memref<2097152xi32, #tpu.memory_space<hbm>> -> memref<8192xi32, #tpu.memory_space<hbm>>
        %dma_wait3A_226 = arith.constant 0 : i32
        %dma_wait3A_227 = tpu.memref_slice %arg11[%dma_wait3A_226] : memref<16384xi32, #tpu.memory_space<vmem>> -> memref<8192xi32, #tpu.memory_space<vmem>>
        tpu.wait_dma2 semaphore(%arg12 : memref<!tpu.dma_semaphore, #tpu.memory_space<semaphore_mem>>) src(%dma_wait3A_227 : memref<8192xi32, #tpu.memory_space<vmem>>) dst(%dma_wait3A_225 : memref<8192xi32, #tpu.memory_space<hbm>>)
      } else {
      }
      %scan3A_137 = arith.constant 0 : i32
      %scan3A_138 = arith.constant 0 : i32
      %scan3A_139 = arith.constant 16 : i32
      %scan3A_140 = arith.addi %scan3A_138, %scan3A_139 : i32
      %scan3A_141 = arith.constant 1 : i32
      %scan3A_142 = scf.for %scan3A_216 = %scan3A_138 to %scan3A_140 step %scan3A_141 iter_args(%scan3A_217 = %scan3A_137) -> (i32)  : i32 {
        %add3A_218 = arith.constant 0 : i32
        %add3A_219 = arith.addi %add3A_218, %scan3A_216 : i32
        %mul3A_220 = arith.constant 16 : i32
        %mul3A_221 = arith.muli %add3A_102, %mul3A_220 : i32
        %add3A_222 = arith.addi %mul3A_221, %scan3A_216 : i32
        %broadcast_in_dim3A_223 = vector.broadcast %add3A_222 : i32 to vector<16xi32>
        %gather3A = tpu.vector_load_idx %arg10[%broadcast_in_dim3A_223] : memref<384xi32, #tpu.memory_space<vmem>>[vector<16xi32>], vector<16xi32>,
        %add3A_224 = arith.constant 96 : i32
        %add3A_225 = vector.broadcast %add3A_224 : i32 to vector<16xi32>
        %add3A_226 = arith.addi %broadcast_in_dim3A_223, %add3A_225 : vector<16xi32>
        %gather3A_227 = tpu.vector_load_idx %arg10[%add3A_226] : memref<384xi32, #tpu.memory_space<vmem>>[vector<16xi32>], vector<16xi32>,
        %add3A_228 = arith.constant 192 : i32
        %add3A_229 = vector.broadcast %add3A_228 : i32 to vector<16xi32>
        %add3A_230 = arith.addi %broadcast_in_dim3A_223, %add3A_229 : vector<16xi32>
        %gather3A_231 = tpu.vector_load_idx %arg10[%add3A_230] : memref<384xi32, #tpu.memory_space<vmem>>[vector<16xi32>], vector<16xi32>,
        %add3A_232 = arith.constant 288 : i32
        %add3A_233 = vector.broadcast %add3A_232 : i32 to vector<16xi32>
        %add3A_234 = arith.addi %broadcast_in_dim3A_223, %add3A_233 : vector<16xi32>
        %gather3A_235 = tpu.vector_load_idx %arg10[%add3A_234] : memref<384xi32, #tpu.memory_space<vmem>>[vector<16xi32>], vector<16xi32>,
        %mul3A_236 = arith.constant 384 : i32
        %mul3A_237 = arith.muli %add3A_222, %mul3A_236 : i32
        %add3A_238 = arith.constant 16 : i32
        %add3A_239 = arith.addi %add3A_238, %mul3A_237 : i32
        %broadcast_in_dim3A_240 = vector.broadcast %add3A_239 : i32 to vector<16xi32>
        %add3A_241 = arith.constant 36880 : i32
        %add3A_242 = arith.addi %add3A_241, %mul3A_237 : i32
        %broadcast_in_dim3A_243 = vector.broadcast %add3A_242 : i32 to vector<16xi32>
        %sub3A = arith.constant 1 : i32
        %sub3A_244 = vector.broadcast %sub3A : i32 to vector<16xi32>
        %sub3A_245 = arith.subi %iota3A, %sub3A_244 : vector<16xi32>
        %sub3A_246 = arith.subi %sub3A_245, %gather3A_227 : vector<16xi32>
        %lt3A_247 = arith.cmpi ult, %sub3A_245, %gather3A : vector<16xi32>
        %lt3A_248 = arith.cmpi ult, %sub3A_246, %gather3A_231 : vector<16xi32>
        %ge3A_249 = arith.cmpi uge, %sub3A_245, %gather3A_235 : vector<16xi32>
        %add3A_250 = arith.addi %sub3A_245, %broadcast_in_dim3A_240 : vector<16xi32>
        %add3A_251 = arith.addi %sub3A_246, %broadcast_in_dim3A_243 : vector<16xi32>
        %eq3A_252 = arith.constant 0 : i32
        %eq3A_253 = vector.broadcast %eq3A_252 : i32 to vector<16xi32>
        %eq3A_254 = arith.cmpi eq, %iota3A, %eq3A_253 : vector<16xi32>
        %select_n3A_255 = arith.select %ge3A_249, %broadcast_in_dim3A_66, %broadcast_in_dim3A_68 : vector<16xi1>, vector<16xi32>
        %select_n3A_256 = arith.select %eq3A_254, %broadcast_in_dim3A_70, %select_n3A_255 : vector<16xi1>, vector<16xi32>
        %select_n3A_257 = arith.select %lt3A_248, %add3A_251, %select_n3A_256 : vector<16xi1>, vector<16xi32>
        %select_n3A_258 = arith.select %lt3A_247, %add3A_250, %select_n3A_257 : vector<16xi1>, vector<16xi32>
        %gather3A_259 = tpu.vector_load_idx %arg7[%select_n3A_258] : memref<73744xi32, #tpu.memory_space<vmem>>[vector<16xi32>], vector<16xi32>,
        %mul3A_260 = arith.constant 512 : i32
        %mul3A_261 = arith.muli %add3A_219, %mul3A_260 : i32
        %swap3A_262 = arith.index_cast %mul3A_261 : i32 to index
        %swap3A_263 = tpu.vector_load %arg11[%swap3A_262] {strides = array<i32>} : memref<16384xi32, #tpu.memory_space<vmem>>, vector<16xi32>,
        tpu.vector_store %arg11[%swap3A_262], %gather3A_259 {strides = array<i32>} : memref<16384xi32, #tpu.memory_space<vmem>>, vector<16xi32>,
        %add3A_264 = arith.constant 16 : i32
        %add3A_265 = vector.broadcast %add3A_264 : i32 to vector<16xi32>
        %add3A_266 = arith.addi %iota3A, %add3A_265 : vector<16xi32>
        %sub3A_267 = arith.constant 1 : i32
        %sub3A_268 = vector.broadcast %sub3A_267 : i32 to vector<16xi32>
        %sub3A_269 = arith.subi %add3A_266, %sub3A_268 : vector<16xi32>
        %scan3A_270 = arith.constant 1 : i32
        %scan3A_271 = arith.constant 28 : i32
        %scan3A_272 = arith.addi %scan3A_270, %scan3A_271 : i32
        %scan3A_273 = arith.constant 4 : i32
        %scan3A_274 = scf.for %scan3A_343 = %scan3A_270 to %scan3A_272 step %scan3A_273 iter_args(%scan3A_344 = %sub3A_269) -> (vector<16xi32>)  : i32 {
          %sub3A_345 = arith.subi %scan3A_344, %gather3A_227 : vector<16xi32>
          %lt3A_346 = arith.cmpi ult, %scan3A_344, %gather3A : vector<16xi32>
          %lt3A_347 = arith.cmpi ult, %sub3A_345, %gather3A_231 : vector<16xi32>
          %ge3A_348 = arith.cmpi uge, %scan3A_344, %gather3A_235 : vector<16xi32>
          %add3A_349 = arith.addi %scan3A_344, %broadcast_in_dim3A_240 : vector<16xi32>
          %add3A_350 = arith.addi %sub3A_345, %broadcast_in_dim3A_243 : vector<16xi32>
          %select_n3A_351 = arith.select %ge3A_348, %broadcast_in_dim3A_66, %broadcast_in_dim3A_68 : vector<16xi1>, vector<16xi32>
          %select_n3A_352 = arith.select %lt3A_347, %add3A_350, %select_n3A_351 : vector<16xi1>, vector<16xi32>
          %select_n3A_353 = arith.select %lt3A_346, %add3A_349, %select_n3A_352 : vector<16xi1>, vector<16xi32>
          %gather3A_354 = tpu.vector_load_idx %arg7[%select_n3A_353] : memref<73744xi32, #tpu.memory_space<vmem>>[vector<16xi32>], vector<16xi32>,
          %mul3A_355 = arith.constant 512 : i32
          %mul3A_356 = arith.muli %add3A_219, %mul3A_355 : i32
          %mul3A_357 = arith.constant 16 : i32
          %mul3A_358 = arith.muli %scan3A_343, %mul3A_357 : i32
          %add3A_359 = arith.addi %mul3A_356, %mul3A_358 : i32
          %swap3A_360 = arith.index_cast %add3A_359 : i32 to index
          %swap3A_361 = tpu.vector_load %arg11[%swap3A_360] {strides = array<i32>} : memref<16384xi32, #tpu.memory_space<vmem>>, vector<16xi32>,
          tpu.vector_store %arg11[%swap3A_360], %gather3A_354 {strides = array<i32>} : memref<16384xi32, #tpu.memory_space<vmem>>, vector<16xi32>,
          %add3A_362 = arith.constant 16 : i32
          %add3A_363 = vector.broadcast %add3A_362 : i32 to vector<16xi32>
          %add3A_364 = arith.addi %scan3A_344, %add3A_363 : vector<16xi32>
          %scan3A_365 = arith.constant 1 : i32
          %scan3A_366 = arith.addi %scan3A_343, %scan3A_365 : i32
          %sub3A_367 = arith.subi %add3A_364, %gather3A_227 : vector<16xi32>
          %lt3A_368 = arith.cmpi ult, %add3A_364, %gather3A : vector<16xi32>
          %lt3A_369 = arith.cmpi ult, %sub3A_367, %gather3A_231 : vector<16xi32>
          %ge3A_370 = arith.cmpi uge, %add3A_364, %gather3A_235 : vector<16xi32>
          %add3A_371 = arith.addi %add3A_364, %broadcast_in_dim3A_240 : vector<16xi32>
          %add3A_372 = arith.addi %sub3A_367, %broadcast_in_dim3A_243 : vector<16xi32>
          %select_n3A_373 = arith.select %ge3A_370, %broadcast_in_dim3A_66, %broadcast_in_dim3A_68 : vector<16xi1>, vector<16xi32>
          %select_n3A_374 = arith.select %lt3A_369, %add3A_372, %select_n3A_373 : vector<16xi1>, vector<16xi32>
          %select_n3A_375 = arith.select %lt3A_368, %add3A_371, %select_n3A_374 : vector<16xi1>, vector<16xi32>
          %gather3A_376 = tpu.vector_load_idx %arg7[%select_n3A_375] : memref<73744xi32, #tpu.memory_space<vmem>>[vector<16xi32>], vector<16xi32>,
          %mul3A_377 = arith.constant 512 : i32
          %mul3A_378 = arith.muli %add3A_219, %mul3A_377 : i32
          %mul3A_379 = arith.constant 16 : i32
          %mul3A_380 = arith.muli %scan3A_366, %mul3A_379 : i32
          %add3A_381 = arith.addi %mul3A_378, %mul3A_380 : i32
          %swap3A_382 = arith.index_cast %add3A_381 : i32 to index
          %swap3A_383 = tpu.vector_load %arg11[%swap3A_382] {strides = array<i32>} : memref<16384xi32, #tpu.memory_space<vmem>>, vector<16xi32>,
          tpu.vector_store %arg11[%swap3A_382], %gather3A_376 {strides = array<i32>} : memref<16384xi32, #tpu.memory_space<vmem>>, vector<16xi32>,
          %add3A_384 = arith.constant 16 : i32
          %add3A_385 = vector.broadcast %add3A_384 : i32 to vector<16xi32>
          %add3A_386 = arith.addi %add3A_364, %add3A_385 : vector<16xi32>
          %scan3A_387 = arith.constant 2 : i32
          %scan3A_388 = arith.addi %scan3A_343, %scan3A_387 : i32
          %sub3A_389 = arith.subi %add3A_386, %gather3A_227 : vector<16xi32>
          %lt3A_390 = arith.cmpi ult, %add3A_386, %gather3A : vector<16xi32>
          %lt3A_391 = arith.cmpi ult, %sub3A_389, %gather3A_231 : vector<16xi32>
          %ge3A_392 = arith.cmpi uge, %add3A_386, %gather3A_235 : vector<16xi32>
          %add3A_393 = arith.addi %add3A_386, %broadcast_in_dim3A_240 : vector<16xi32>
          %add3A_394 = arith.addi %sub3A_389, %broadcast_in_dim3A_243 : vector<16xi32>
          %select_n3A_395 = arith.select %ge3A_392, %broadcast_in_dim3A_66, %broadcast_in_dim3A_68 : vector<16xi1>, vector<16xi32>
          %select_n3A_396 = arith.select %lt3A_391, %add3A_394, %select_n3A_395 : vector<16xi1>, vector<16xi32>
          %select_n3A_397 = arith.select %lt3A_390, %add3A_393, %select_n3A_396 : vector<16xi1>, vector<16xi32>
          %gather3A_398 = tpu.vector_load_idx %arg7[%select_n3A_397] : memref<73744xi32, #tpu.memory_space<vmem>>[vector<16xi32>], vector<16xi32>,
          %mul3A_399 = arith.constant 512 : i32
          %mul3A_400 = arith.muli %add3A_219, %mul3A_399 : i32
          %mul3A_401 = arith.constant 16 : i32
          %mul3A_402 = arith.muli %scan3A_388, %mul3A_401 : i32
          %add3A_403 = arith.addi %mul3A_400, %mul3A_402 : i32
          %swap3A_404 = arith.index_cast %add3A_403 : i32 to index
          %swap3A_405 = tpu.vector_load %arg11[%swap3A_404] {strides = array<i32>} : memref<16384xi32, #tpu.memory_space<vmem>>, vector<16xi32>,
          tpu.vector_store %arg11[%swap3A_404], %gather3A_398 {strides = array<i32>} : memref<16384xi32, #tpu.memory_space<vmem>>, vector<16xi32>,
          %add3A_406 = arith.constant 16 : i32
          %add3A_407 = vector.broadcast %add3A_406 : i32 to vector<16xi32>
          %add3A_408 = arith.addi %add3A_386, %add3A_407 : vector<16xi32>
          %scan3A_409 = arith.constant 3 : i32
          %scan3A_410 = arith.addi %scan3A_343, %scan3A_409 : i32
          %sub3A_411 = arith.subi %add3A_408, %gather3A_227 : vector<16xi32>
          %lt3A_412 = arith.cmpi ult, %add3A_408, %gather3A : vector<16xi32>
          %lt3A_413 = arith.cmpi ult, %sub3A_411, %gather3A_231 : vector<16xi32>
          %ge3A_414 = arith.cmpi uge, %add3A_408, %gather3A_235 : vector<16xi32>
          %add3A_415 = arith.addi %add3A_408, %broadcast_in_dim3A_240 : vector<16xi32>
          %add3A_416 = arith.addi %sub3A_411, %broadcast_in_dim3A_243 : vector<16xi32>
          %select_n3A_417 = arith.select %ge3A_414, %broadcast_in_dim3A_66, %broadcast_in_dim3A_68 : vector<16xi1>, vector<16xi32>
          %select_n3A_418 = arith.select %lt3A_413, %add3A_416, %select_n3A_417 : vector<16xi1>, vector<16xi32>
          %select_n3A_419 = arith.select %lt3A_412, %add3A_415, %select_n3A_418 : vector<16xi1>, vector<16xi32>
          %gather3A_420 = tpu.vector_load_idx %arg7[%select_n3A_419] : memref<73744xi32, #tpu.memory_space<vmem>>[vector<16xi32>], vector<16xi32>,
          %mul3A_421 = arith.constant 512 : i32
          %mul3A_422 = arith.muli %add3A_219, %mul3A_421 : i32
          %mul3A_423 = arith.constant 16 : i32
          %mul3A_424 = arith.muli %scan3A_410, %mul3A_423 : i32
          %add3A_425 = arith.addi %mul3A_422, %mul3A_424 : i32
          %swap3A_426 = arith.index_cast %add3A_425 : i32 to index
          %swap3A_427 = tpu.vector_load %arg11[%swap3A_426] {strides = array<i32>} : memref<16384xi32, #tpu.memory_space<vmem>>, vector<16xi32>,
          tpu.vector_store %arg11[%swap3A_426], %gather3A_420 {strides = array<i32>} : memref<16384xi32, #tpu.memory_space<vmem>>, vector<16xi32>,
          %add3A_428 = arith.constant 16 : i32
          %add3A_429 = vector.broadcast %add3A_428 : i32 to vector<16xi32>
          %add3A_430 = arith.addi %add3A_408, %add3A_429 : vector<16xi32>
          scf.yield %add3A_430 : vector<16xi32>
        }
        %scan3A_275 = arith.constant 28 : i32
        %scan3A_276 = arith.addi %scan3A_270, %scan3A_275 : i32
        %sub3A_277 = arith.subi %scan3A_274, %gather3A_227 : vector<16xi32>
        %lt3A_278 = arith.cmpi ult, %scan3A_274, %gather3A : vector<16xi32>
        %lt3A_279 = arith.cmpi ult, %sub3A_277, %gather3A_231 : vector<16xi32>
        %ge3A_280 = arith.cmpi uge, %scan3A_274, %gather3A_235 : vector<16xi32>
        %add3A_281 = arith.addi %scan3A_274, %broadcast_in_dim3A_240 : vector<16xi32>
        %add3A_282 = arith.addi %sub3A_277, %broadcast_in_dim3A_243 : vector<16xi32>
        %select_n3A_283 = arith.select %ge3A_280, %broadcast_in_dim3A_66, %broadcast_in_dim3A_68 : vector<16xi1>, vector<16xi32>
        %select_n3A_284 = arith.select %lt3A_279, %add3A_282, %select_n3A_283 : vector<16xi1>, vector<16xi32>
        %select_n3A_285 = arith.select %lt3A_278, %add3A_281, %select_n3A_284 : vector<16xi1>, vector<16xi32>
        %gather3A_286 = tpu.vector_load_idx %arg7[%select_n3A_285] : memref<73744xi32, #tpu.memory_space<vmem>>[vector<16xi32>], vector<16xi32>,
        %mul3A_287 = arith.constant 512 : i32
        %mul3A_288 = arith.muli %add3A_219, %mul3A_287 : i32
        %mul3A_289 = arith.constant 16 : i32
        %mul3A_290 = arith.muli %scan3A_276, %mul3A_289 : i32
        %add3A_291 = arith.addi %mul3A_288, %mul3A_290 : i32
        %swap3A_292 = arith.index_cast %add3A_291 : i32 to index
        %swap3A_293 = tpu.vector_load %arg11[%swap3A_292] {strides = array<i32>} : memref<16384xi32, #tpu.memory_space<vmem>>, vector<16xi32>,
        tpu.vector_store %arg11[%swap3A_292], %gather3A_286 {strides = array<i32>} : memref<16384xi32, #tpu.memory_space<vmem>>, vector<16xi32>,
        %add3A_294 = arith.constant 16 : i32
        %add3A_295 = vector.broadcast %add3A_294 : i32 to vector<16xi32>
        %add3A_296 = arith.addi %scan3A_274, %add3A_295 : vector<16xi32>
        %scan3A_297 = arith.constant 29 : i32
        %scan3A_298 = arith.addi %scan3A_270, %scan3A_297 : i32
        %sub3A_299 = arith.subi %add3A_296, %gather3A_227 : vector<16xi32>
        %lt3A_300 = arith.cmpi ult, %add3A_296, %gather3A : vector<16xi32>
        %lt3A_301 = arith.cmpi ult, %sub3A_299, %gather3A_231 : vector<16xi32>
        %ge3A_302 = arith.cmpi uge, %add3A_296, %gather3A_235 : vector<16xi32>
        %add3A_303 = arith.addi %add3A_296, %broadcast_in_dim3A_240 : vector<16xi32>
        %add3A_304 = arith.addi %sub3A_299, %broadcast_in_dim3A_243 : vector<16xi32>
        %select_n3A_305 = arith.select %ge3A_302, %broadcast_in_dim3A_66, %broadcast_in_dim3A_68 : vector<16xi1>, vector<16xi32>
        %select_n3A_306 = arith.select %lt3A_301, %add3A_304, %select_n3A_305 : vector<16xi1>, vector<16xi32>
        %select_n3A_307 = arith.select %lt3A_300, %add3A_303, %select_n3A_306 : vector<16xi1>, vector<16xi32>
        %gather3A_308 = tpu.vector_load_idx %arg7[%select_n3A_307] : memref<73744xi32, #tpu.memory_space<vmem>>[vector<16xi32>], vector<16xi32>,
        %mul3A_309 = arith.constant 512 : i32
        %mul3A_310 = arith.muli %add3A_219, %mul3A_309 : i32
        %mul3A_311 = arith.constant 16 : i32
        %mul3A_312 = arith.muli %scan3A_298, %mul3A_311 : i32
        %add3A_313 = arith.addi %mul3A_310, %mul3A_312 : i32
        %swap3A_314 = arith.index_cast %add3A_313 : i32 to index
        %swap3A_315 = tpu.vector_load %arg11[%swap3A_314] {strides = array<i32>} : memref<16384xi32, #tpu.memory_space<vmem>>, vector<16xi32>,
        tpu.vector_store %arg11[%swap3A_314], %gather3A_308 {strides = array<i32>} : memref<16384xi32, #tpu.memory_space<vmem>>, vector<16xi32>,
        %add3A_316 = arith.constant 16 : i32
        %add3A_317 = vector.broadcast %add3A_316 : i32 to vector<16xi32>
        %add3A_318 = arith.addi %add3A_296, %add3A_317 : vector<16xi32>
        %scan3A_319 = arith.constant 30 : i32
        %scan3A_320 = arith.addi %scan3A_270, %scan3A_319 : i32
        %sub3A_321 = arith.subi %add3A_318, %gather3A_227 : vector<16xi32>
        %lt3A_322 = arith.cmpi ult, %add3A_318, %gather3A : vector<16xi32>
        %lt3A_323 = arith.cmpi ult, %sub3A_321, %gather3A_231 : vector<16xi32>
        %ge3A_324 = arith.cmpi uge, %add3A_318, %gather3A_235 : vector<16xi32>
        %add3A_325 = arith.addi %add3A_318, %broadcast_in_dim3A_240 : vector<16xi32>
        %add3A_326 = arith.addi %sub3A_321, %broadcast_in_dim3A_243 : vector<16xi32>
        %select_n3A_327 = arith.select %ge3A_324, %broadcast_in_dim3A_66, %broadcast_in_dim3A_68 : vector<16xi1>, vector<16xi32>
        %select_n3A_328 = arith.select %lt3A_323, %add3A_326, %select_n3A_327 : vector<16xi1>, vector<16xi32>
        %select_n3A_329 = arith.select %lt3A_322, %add3A_325, %select_n3A_328 : vector<16xi1>, vector<16xi32>
        %gather3A_330 = tpu.vector_load_idx %arg7[%select_n3A_329] : memref<73744xi32, #tpu.memory_space<vmem>>[vector<16xi32>], vector<16xi32>,
        %mul3A_331 = arith.constant 512 : i32
        %mul3A_332 = arith.muli %add3A_219, %mul3A_331 : i32
        %mul3A_333 = arith.constant 16 : i32
        %mul3A_334 = arith.muli %scan3A_320, %mul3A_333 : i32
        %add3A_335 = arith.addi %mul3A_332, %mul3A_334 : i32
        %swap3A_336 = arith.index_cast %add3A_335 : i32 to index
        %swap3A_337 = tpu.vector_load %arg11[%swap3A_336] {strides = array<i32>} : memref<16384xi32, #tpu.memory_space<vmem>>, vector<16xi32>,
        tpu.vector_store %arg11[%swap3A_336], %gather3A_330 {strides = array<i32>} : memref<16384xi32, #tpu.memory_space<vmem>>, vector<16xi32>,
        %add3A_338 = arith.constant 16 : i32
        %add3A_339 = vector.broadcast %add3A_338 : i32 to vector<16xi32>
        %add3A_340 = arith.addi %add3A_318, %add3A_339 : vector<16xi32>
        %scan3A_341 = arith.constant 31 : i32
        %scan3A_342 = arith.constant 0 : i32
        scf.yield %scan3A_342 : i32
      }
      %scan3A_143 = arith.constant 16 : i32
      %mul3A_144 = arith.constant 16 : i32
      %mul3A_145 = arith.muli %add3A_102, %mul3A_144 : i32
      %add3A_146 = arith.addi %mul3A_2, %mul3A_145 : i32
      %mul3A_147 = arith.constant 512 : i32
      %mul3A_148 = arith.muli %add3A_146, %mul3A_147 : i32
      %dma_start3A_149 = arith.constant 0 : i32
      %dma_start3A_150 = tpu.memref_slice %arg11[%dma_start3A_149] : memref<16384xi32, #tpu.memory_space<vmem>> -> memref<8192xi32, #tpu.memory_space<vmem>>
      %dma_start3A_151 = tpu.memref_slice %arg6[%mul3A_148] : memref<2097152xi32, #tpu.memory_space<hbm>> -> memref<8192xi32, #tpu.memory_space<hbm>>
      %dma_start3A_152 = tpu.memref_slice %arg6[%mul3A_148] : memref<2097152xi32, #tpu.memory_space<hbm>> -> memref<8192xi32, #tpu.memory_space<hbm>>
      %dma_start3A_153 = arith.constant 0 : i32
      %dma_start3A_154 = tpu.memref_slice %arg11[%dma_start3A_153] : memref<16384xi32, #tpu.memory_space<vmem>> -> memref<8192xi32, #tpu.memory_space<vmem>>
      tpu.enqueue_dma source(%dma_start3A_154 : memref<8192xi32, #tpu.memory_space<vmem>>) target(%dma_start3A_152 : memref<8192xi32, #tpu.memory_space<hbm>>) target_semaphore(%arg12 : memref<!tpu.dma_semaphore, #tpu.memory_space<semaphore_mem>>)
      %mul3A_155 = arith.constant 2 : i32
      %mul3A_156 = arith.muli %scan3A_97, %mul3A_155 : i32
      %add3A_157 = arith.constant 1 : i32
      %add3A_158 = arith.addi %mul3A_156, %add3A_157 : i32
      %mul3A_159 = arith.constant 16 : i32
      %mul3A_160 = arith.muli %add3A_158, %mul3A_159 : i32
      %add3A_161 = arith.addi %mul3A_2, %mul3A_160 : i32
      %mul3A_162 = arith.constant 384 : i32
      %mul3A_163 = arith.muli %add3A_161, %mul3A_162 : i32
      %mul3A_164 = arith.constant 6144 : i32
      %mul3A_165 = arith.muli %add3A_158, %mul3A_164 : i32
      %add3A_166 = arith.constant 16 : i32
      %add3A_167 = arith.addi %add3A_166, %mul3A_165 : i32
      %dma_wait3A_168 = tpu.memref_slice %arg7[%add3A_167] : memref<73744xi32, #tpu.memory_space<vmem>> -> memref<6144xi32, #tpu.memory_space<vmem>>
      %dma_wait3A_169 = tpu.memref_slice %arg2[%mul3A_163] : memref<1179648xi32, #tpu.memory_space<hbm>> -> memref<6144xi32, #tpu.memory_space<hbm>>
      %dma_wait3A_170 = tpu.memref_slice %arg7[%add3A_167] : memref<73744xi32, #tpu.memory_space<vmem>> -> memref<6144xi32, #tpu.memory_space<vmem>>
      %dma_wait3A_171 = tpu.memref_slice %arg2[%mul3A_163] : memref<1179648xi32, #tpu.memory_space<hbm>> -> memref<6144xi32, #tpu.memory_space<hbm>>
      tpu.wait_dma2 semaphore(%arg15 : memref<!tpu.dma_semaphore, #tpu.memory_space<semaphore_mem>>) src(%dma_wait3A_171 : memref<6144xi32, #tpu.memory_space<hbm>>) dst(%dma_wait3A_170 : memref<6144xi32, #tpu.memory_space<vmem>>)
      %mul3A_172 = arith.constant 16 : i32
      %mul3A_173 = arith.muli %add3A_158, %mul3A_172 : i32
      %add3A_174 = arith.addi %mul3A_2, %mul3A_173 : i32
      %mul3A_175 = arith.constant 384 : i32
      %mul3A_176 = arith.muli %add3A_174, %mul3A_175 : i32
      %mul3A_177 = arith.constant 6144 : i32
      %mul3A_178 = arith.muli %add3A_158, %mul3A_177 : i32
      %add3A_179 = arith.constant 36880 : i32
      %add3A_180 = arith.addi %add3A_179, %mul3A_178 : i32
      %dma_wait3A_181 = tpu.memref_slice %arg7[%add3A_180] : memref<73744xi32, #tpu.memory_space<vmem>> -> memref<6144xi32, #tpu.memory_space<vmem>>
      %dma_wait3A_182 = tpu.memref_slice %arg3[%mul3A_176] : memref<1179648xi32, #tpu.memory_space<hbm>> -> memref<6144xi32, #tpu.memory_space<hbm>>
      %dma_wait3A_183 = tpu.memref_slice %arg7[%add3A_180] : memref<73744xi32, #tpu.memory_space<vmem>> -> memref<6144xi32, #tpu.memory_space<vmem>>
      %dma_wait3A_184 = tpu.memref_slice %arg3[%mul3A_176] : memref<1179648xi32, #tpu.memory_space<hbm>> -> memref<6144xi32, #tpu.memory_space<hbm>>
      tpu.wait_dma2 semaphore(%arg15 : memref<!tpu.dma_semaphore, #tpu.memory_space<semaphore_mem>>) src(%dma_wait3A_184 : memref<6144xi32, #tpu.memory_space<hbm>>) dst(%dma_wait3A_183 : memref<6144xi32, #tpu.memory_space<vmem>>)
      %add3A_185 = arith.constant 2 : i32
      %add3A_186 = arith.addi %add3A_158, %add3A_185 : i32
      %lt3A_187 = arith.constant 6 : i32
      %lt3A_188 = arith.cmpi slt, %add3A_186, %lt3A_187 : i32
      %convert_element_type3A_189 = arith.extui %lt3A_188 : i1 to i32
      %cond3A_190 = arith.constant 0 : i32
      %cond3A_191 = arith.cmpi ne, %convert_element_type3A_189, %cond3A_190 : i32
      scf.if %cond3A_191 {
        %add3A_216 = arith.constant 2 : i32
        %add3A_217 = arith.addi %add3A_158, %add3A_216 : i32
        %mul3A_218 = arith.constant 16 : i32
        %mul3A_219 = arith.muli %add3A_217, %mul3A_218 : i32
        %add3A_220 = arith.addi %mul3A_2, %mul3A_219 : i32
        %mul3A_221 = arith.constant 384 : i32
        %mul3A_222 = arith.muli %add3A_220, %mul3A_221 : i32
        %mul3A_223 = arith.constant 6144 : i32
        %mul3A_224 = arith.muli %add3A_217, %mul3A_223 : i32
        %add3A_225 = arith.constant 16 : i32
        %add3A_226 = arith.addi %add3A_225, %mul3A_224 : i32
        %dma_start3A_227 = tpu.memref_slice %arg7[%add3A_226] : memref<73744xi32, #tpu.memory_space<vmem>> -> memref<6144xi32, #tpu.memory_space<vmem>>
        %dma_start3A_228 = tpu.memref_slice %arg2[%mul3A_222] : memref<1179648xi32, #tpu.memory_space<hbm>> -> memref<6144xi32, #tpu.memory_space<hbm>>
        %dma_start3A_229 = tpu.memref_slice %arg7[%add3A_226] : memref<73744xi32, #tpu.memory_space<vmem>> -> memref<6144xi32, #tpu.memory_space<vmem>>
        %dma_start3A_230 = tpu.memref_slice %arg2[%mul3A_222] : memref<1179648xi32, #tpu.memory_space<hbm>> -> memref<6144xi32, #tpu.memory_space<hbm>>
        tpu.enqueue_dma source(%dma_start3A_230 : memref<6144xi32, #tpu.memory_space<hbm>>) target(%dma_start3A_229 : memref<6144xi32, #tpu.memory_space<vmem>>) target_semaphore(%arg15 : memref<!tpu.dma_semaphore, #tpu.memory_space<semaphore_mem>>)
        %add3A_231 = arith.constant 2 : i32
        %add3A_232 = arith.addi %add3A_158, %add3A_231 : i32
        %mul3A_233 = arith.constant 16 : i32
        %mul3A_234 = arith.muli %add3A_232, %mul3A_233 : i32
        %add3A_235 = arith.addi %mul3A_2, %mul3A_234 : i32
        %mul3A_236 = arith.constant 384 : i32
        %mul3A_237 = arith.muli %add3A_235, %mul3A_236 : i32
        %mul3A_238 = arith.constant 6144 : i32
        %mul3A_239 = arith.muli %add3A_232, %mul3A_238 : i32
        %add3A_240 = arith.constant 36880 : i32
        %add3A_241 = arith.addi %add3A_240, %mul3A_239 : i32
        %dma_start3A_242 = tpu.memref_slice %arg7[%add3A_241] : memref<73744xi32, #tpu.memory_space<vmem>> -> memref<6144xi32, #tpu.memory_space<vmem>>
        %dma_start3A_243 = tpu.memref_slice %arg3[%mul3A_237] : memref<1179648xi32, #tpu.memory_space<hbm>> -> memref<6144xi32, #tpu.memory_space<hbm>>
        %dma_start3A_244 = tpu.memref_slice %arg7[%add3A_241] : memref<73744xi32, #tpu.memory_space<vmem>> -> memref<6144xi32, #tpu.memory_space<vmem>>
        %dma_start3A_245 = tpu.memref_slice %arg3[%mul3A_237] : memref<1179648xi32, #tpu.memory_space<hbm>> -> memref<6144xi32, #tpu.memory_space<hbm>>
        tpu.enqueue_dma source(%dma_start3A_245 : memref<6144xi32, #tpu.memory_space<hbm>>) target(%dma_start3A_244 : memref<6144xi32, #tpu.memory_space<vmem>>) target_semaphore(%arg15 : memref<!tpu.dma_semaphore, #tpu.memory_space<semaphore_mem>>)
      } else {
      }
      %ge3A_192 = arith.constant 2 : i32
      %ge3A_193 = arith.cmpi sge, %add3A_158, %ge3A_192 : i32
      %convert_element_type3A_194 = arith.extui %ge3A_193 : i1 to i32
      %cond3A_195 = arith.constant 0 : i32
      %cond3A_196 = arith.cmpi ne, %convert_element_type3A_194, %cond3A_195 : i32
      scf.if %cond3A_196 {
        %sub3A = arith.constant 2 : i32
        %sub3A_216 = arith.subi %add3A_158, %sub3A : i32
        %mul3A_217 = arith.constant 16 : i32
        %mul3A_218 = arith.muli %sub3A_216, %mul3A_217 : i32
        %add3A_219 = arith.addi %mul3A_2, %mul3A_218 : i32
        %mul3A_220 = arith.constant 512 : i32
        %mul3A_221 = arith.muli %add3A_219, %mul3A_220 : i32
        %dma_wait3A_222 = arith.constant 8192 : i32
        %dma_wait3A_223 = tpu.memref_slice %arg11[%dma_wait3A_222] : memref<16384xi32, #tpu.memory_space<vmem>> -> memref<8192xi32, #tpu.memory_space<vmem>>
        %dma_wait3A_224 = tpu.memref_slice %arg6[%mul3A_221] : memref<2097152xi32, #tpu.memory_space<hbm>> -> memref<8192xi32, #tpu.memory_space<hbm>>
        %dma_wait3A_225 = tpu.memref_slice %arg6[%mul3A_221] : memref<2097152xi32, #tpu.memory_space<hbm>> -> memref<8192xi32, #tpu.memory_space<hbm>>
        %dma_wait3A_226 = arith.constant 8192 : i32
        %dma_wait3A_227 = tpu.memref_slice %arg11[%dma_wait3A_226] : memref<16384xi32, #tpu.memory_space<vmem>> -> memref<8192xi32, #tpu.memory_space<vmem>>
        tpu.wait_dma2 semaphore(%arg13 : memref<!tpu.dma_semaphore, #tpu.memory_space<semaphore_mem>>) src(%dma_wait3A_227 : memref<8192xi32, #tpu.memory_space<vmem>>) dst(%dma_wait3A_225 : memref<8192xi32, #tpu.memory_space<hbm>>)
      } else {
      }
      %scan3A_197 = arith.constant 0 : i32
      %scan3A_198 = arith.constant 0 : i32
      %scan3A_199 = arith.constant 16 : i32
      %scan3A_200 = arith.addi %scan3A_198, %scan3A_199 : i32
      %scan3A_201 = arith.constant 1 : i32
      %scan3A_202 = scf.for %scan3A_216 = %scan3A_198 to %scan3A_200 step %scan3A_201 iter_args(%scan3A_217 = %scan3A_197) -> (i32)  : i32 {
        %add3A_218 = arith.constant 16 : i32
        %add3A_219 = arith.addi %add3A_218, %scan3A_216 : i32
        %mul3A_220 = arith.constant 16 : i32
        %mul3A_221 = arith.muli %add3A_158, %mul3A_220 : i32
        %add3A_222 = arith.addi %mul3A_221, %scan3A_216 : i32
        %broadcast_in_dim3A_223 = vector.broadcast %add3A_222 : i32 to vector<16xi32>
        %gather3A = tpu.vector_load_idx %arg10[%broadcast_in_dim3A_223] : memref<384xi32, #tpu.memory_space<vmem>>[vector<16xi32>], vector<16xi32>,
        %add3A_224 = arith.constant 96 : i32
        %add3A_225 = vector.broadcast %add3A_224 : i32 to vector<16xi32>
        %add3A_226 = arith.addi %broadcast_in_dim3A_223, %add3A_225 : vector<16xi32>
        %gather3A_227 = tpu.vector_load_idx %arg10[%add3A_226] : memref<384xi32, #tpu.memory_space<vmem>>[vector<16xi32>], vector<16xi32>,
        %add3A_228 = arith.constant 192 : i32
        %add3A_229 = vector.broadcast %add3A_228 : i32 to vector<16xi32>
        %add3A_230 = arith.addi %broadcast_in_dim3A_223, %add3A_229 : vector<16xi32>
        %gather3A_231 = tpu.vector_load_idx %arg10[%add3A_230] : memref<384xi32, #tpu.memory_space<vmem>>[vector<16xi32>], vector<16xi32>,
        %add3A_232 = arith.constant 288 : i32
        %add3A_233 = vector.broadcast %add3A_232 : i32 to vector<16xi32>
        %add3A_234 = arith.addi %broadcast_in_dim3A_223, %add3A_233 : vector<16xi32>
        %gather3A_235 = tpu.vector_load_idx %arg10[%add3A_234] : memref<384xi32, #tpu.memory_space<vmem>>[vector<16xi32>], vector<16xi32>,
        %mul3A_236 = arith.constant 384 : i32
        %mul3A_237 = arith.muli %add3A_222, %mul3A_236 : i32
        %add3A_238 = arith.constant 16 : i32
        %add3A_239 = arith.addi %add3A_238, %mul3A_237 : i32
        %broadcast_in_dim3A_240 = vector.broadcast %add3A_239 : i32 to vector<16xi32>
        %add3A_241 = arith.constant 36880 : i32
        %add3A_242 = arith.addi %add3A_241, %mul3A_237 : i32
        %broadcast_in_dim3A_243 = vector.broadcast %add3A_242 : i32 to vector<16xi32>
        %sub3A = arith.constant 1 : i32
        %sub3A_244 = vector.broadcast %sub3A : i32 to vector<16xi32>
        %sub3A_245 = arith.subi %iota3A, %sub3A_244 : vector<16xi32>
        %sub3A_246 = arith.subi %sub3A_245, %gather3A_227 : vector<16xi32>
        %lt3A_247 = arith.cmpi ult, %sub3A_245, %gather3A : vector<16xi32>
        %lt3A_248 = arith.cmpi ult, %sub3A_246, %gather3A_231 : vector<16xi32>
        %ge3A_249 = arith.cmpi uge, %sub3A_245, %gather3A_235 : vector<16xi32>
        %add3A_250 = arith.addi %sub3A_245, %broadcast_in_dim3A_240 : vector<16xi32>
        %add3A_251 = arith.addi %sub3A_246, %broadcast_in_dim3A_243 : vector<16xi32>
        %eq3A_252 = arith.constant 0 : i32
        %eq3A_253 = vector.broadcast %eq3A_252 : i32 to vector<16xi32>
        %eq3A_254 = arith.cmpi eq, %iota3A, %eq3A_253 : vector<16xi32>
        %select_n3A_255 = arith.select %ge3A_249, %broadcast_in_dim3A_66, %broadcast_in_dim3A_68 : vector<16xi1>, vector<16xi32>
        %select_n3A_256 = arith.select %eq3A_254, %broadcast_in_dim3A_70, %select_n3A_255 : vector<16xi1>, vector<16xi32>
        %select_n3A_257 = arith.select %lt3A_248, %add3A_251, %select_n3A_256 : vector<16xi1>, vector<16xi32>
        %select_n3A_258 = arith.select %lt3A_247, %add3A_250, %select_n3A_257 : vector<16xi1>, vector<16xi32>
        %gather3A_259 = tpu.vector_load_idx %arg7[%select_n3A_258] : memref<73744xi32, #tpu.memory_space<vmem>>[vector<16xi32>], vector<16xi32>,
        %mul3A_260 = arith.constant 512 : i32
        %mul3A_261 = arith.muli %add3A_219, %mul3A_260 : i32
        %swap3A_262 = arith.index_cast %mul3A_261 : i32 to index
        %swap3A_263 = tpu.vector_load %arg11[%swap3A_262] {strides = array<i32>} : memref<16384xi32, #tpu.memory_space<vmem>>, vector<16xi32>,
        tpu.vector_store %arg11[%swap3A_262], %gather3A_259 {strides = array<i32>} : memref<16384xi32, #tpu.memory_space<vmem>>, vector<16xi32>,
        %add3A_264 = arith.constant 16 : i32
        %add3A_265 = vector.broadcast %add3A_264 : i32 to vector<16xi32>
        %add3A_266 = arith.addi %iota3A, %add3A_265 : vector<16xi32>
        %sub3A_267 = arith.constant 1 : i32
        %sub3A_268 = vector.broadcast %sub3A_267 : i32 to vector<16xi32>
        %sub3A_269 = arith.subi %add3A_266, %sub3A_268 : vector<16xi32>
        %scan3A_270 = arith.constant 1 : i32
        %scan3A_271 = arith.constant 28 : i32
        %scan3A_272 = arith.addi %scan3A_270, %scan3A_271 : i32
        %scan3A_273 = arith.constant 4 : i32
        %scan3A_274 = scf.for %scan3A_343 = %scan3A_270 to %scan3A_272 step %scan3A_273 iter_args(%scan3A_344 = %sub3A_269) -> (vector<16xi32>)  : i32 {
          %sub3A_345 = arith.subi %scan3A_344, %gather3A_227 : vector<16xi32>
          %lt3A_346 = arith.cmpi ult, %scan3A_344, %gather3A : vector<16xi32>
          %lt3A_347 = arith.cmpi ult, %sub3A_345, %gather3A_231 : vector<16xi32>
          %ge3A_348 = arith.cmpi uge, %scan3A_344, %gather3A_235 : vector<16xi32>
          %add3A_349 = arith.addi %scan3A_344, %broadcast_in_dim3A_240 : vector<16xi32>
          %add3A_350 = arith.addi %sub3A_345, %broadcast_in_dim3A_243 : vector<16xi32>
          %select_n3A_351 = arith.select %ge3A_348, %broadcast_in_dim3A_66, %broadcast_in_dim3A_68 : vector<16xi1>, vector<16xi32>
          %select_n3A_352 = arith.select %lt3A_347, %add3A_350, %select_n3A_351 : vector<16xi1>, vector<16xi32>
          %select_n3A_353 = arith.select %lt3A_346, %add3A_349, %select_n3A_352 : vector<16xi1>, vector<16xi32>
          %gather3A_354 = tpu.vector_load_idx %arg7[%select_n3A_353] : memref<73744xi32, #tpu.memory_space<vmem>>[vector<16xi32>], vector<16xi32>,
          %mul3A_355 = arith.constant 512 : i32
          %mul3A_356 = arith.muli %add3A_219, %mul3A_355 : i32
          %mul3A_357 = arith.constant 16 : i32
          %mul3A_358 = arith.muli %scan3A_343, %mul3A_357 : i32
          %add3A_359 = arith.addi %mul3A_356, %mul3A_358 : i32
          %swap3A_360 = arith.index_cast %add3A_359 : i32 to index
          %swap3A_361 = tpu.vector_load %arg11[%swap3A_360] {strides = array<i32>} : memref<16384xi32, #tpu.memory_space<vmem>>, vector<16xi32>,
          tpu.vector_store %arg11[%swap3A_360], %gather3A_354 {strides = array<i32>} : memref<16384xi32, #tpu.memory_space<vmem>>, vector<16xi32>,
          %add3A_362 = arith.constant 16 : i32
          %add3A_363 = vector.broadcast %add3A_362 : i32 to vector<16xi32>
          %add3A_364 = arith.addi %scan3A_344, %add3A_363 : vector<16xi32>
          %scan3A_365 = arith.constant 1 : i32
          %scan3A_366 = arith.addi %scan3A_343, %scan3A_365 : i32
          %sub3A_367 = arith.subi %add3A_364, %gather3A_227 : vector<16xi32>
          %lt3A_368 = arith.cmpi ult, %add3A_364, %gather3A : vector<16xi32>
          %lt3A_369 = arith.cmpi ult, %sub3A_367, %gather3A_231 : vector<16xi32>
          %ge3A_370 = arith.cmpi uge, %add3A_364, %gather3A_235 : vector<16xi32>
          %add3A_371 = arith.addi %add3A_364, %broadcast_in_dim3A_240 : vector<16xi32>
          %add3A_372 = arith.addi %sub3A_367, %broadcast_in_dim3A_243 : vector<16xi32>
          %select_n3A_373 = arith.select %ge3A_370, %broadcast_in_dim3A_66, %broadcast_in_dim3A_68 : vector<16xi1>, vector<16xi32>
          %select_n3A_374 = arith.select %lt3A_369, %add3A_372, %select_n3A_373 : vector<16xi1>, vector<16xi32>
          %select_n3A_375 = arith.select %lt3A_368, %add3A_371, %select_n3A_374 : vector<16xi1>, vector<16xi32>
          %gather3A_376 = tpu.vector_load_idx %arg7[%select_n3A_375] : memref<73744xi32, #tpu.memory_space<vmem>>[vector<16xi32>], vector<16xi32>,
          %mul3A_377 = arith.constant 512 : i32
          %mul3A_378 = arith.muli %add3A_219, %mul3A_377 : i32
          %mul3A_379 = arith.constant 16 : i32
          %mul3A_380 = arith.muli %scan3A_366, %mul3A_379 : i32
          %add3A_381 = arith.addi %mul3A_378, %mul3A_380 : i32
          %swap3A_382 = arith.index_cast %add3A_381 : i32 to index
          %swap3A_383 = tpu.vector_load %arg11[%swap3A_382] {strides = array<i32>} : memref<16384xi32, #tpu.memory_space<vmem>>, vector<16xi32>,
          tpu.vector_store %arg11[%swap3A_382], %gather3A_376 {strides = array<i32>} : memref<16384xi32, #tpu.memory_space<vmem>>, vector<16xi32>,
          %add3A_384 = arith.constant 16 : i32
          %add3A_385 = vector.broadcast %add3A_384 : i32 to vector<16xi32>
          %add3A_386 = arith.addi %add3A_364, %add3A_385 : vector<16xi32>
          %scan3A_387 = arith.constant 2 : i32
          %scan3A_388 = arith.addi %scan3A_343, %scan3A_387 : i32
          %sub3A_389 = arith.subi %add3A_386, %gather3A_227 : vector<16xi32>
          %lt3A_390 = arith.cmpi ult, %add3A_386, %gather3A : vector<16xi32>
          %lt3A_391 = arith.cmpi ult, %sub3A_389, %gather3A_231 : vector<16xi32>
          %ge3A_392 = arith.cmpi uge, %add3A_386, %gather3A_235 : vector<16xi32>
          %add3A_393 = arith.addi %add3A_386, %broadcast_in_dim3A_240 : vector<16xi32>
          %add3A_394 = arith.addi %sub3A_389, %broadcast_in_dim3A_243 : vector<16xi32>
          %select_n3A_395 = arith.select %ge3A_392, %broadcast_in_dim3A_66, %broadcast_in_dim3A_68 : vector<16xi1>, vector<16xi32>
          %select_n3A_396 = arith.select %lt3A_391, %add3A_394, %select_n3A_395 : vector<16xi1>, vector<16xi32>
          %select_n3A_397 = arith.select %lt3A_390, %add3A_393, %select_n3A_396 : vector<16xi1>, vector<16xi32>
          %gather3A_398 = tpu.vector_load_idx %arg7[%select_n3A_397] : memref<73744xi32, #tpu.memory_space<vmem>>[vector<16xi32>], vector<16xi32>,
          %mul3A_399 = arith.constant 512 : i32
          %mul3A_400 = arith.muli %add3A_219, %mul3A_399 : i32
          %mul3A_401 = arith.constant 16 : i32
          %mul3A_402 = arith.muli %scan3A_388, %mul3A_401 : i32
          %add3A_403 = arith.addi %mul3A_400, %mul3A_402 : i32
          %swap3A_404 = arith.index_cast %add3A_403 : i32 to index
          %swap3A_405 = tpu.vector_load %arg11[%swap3A_404] {strides = array<i32>} : memref<16384xi32, #tpu.memory_space<vmem>>, vector<16xi32>,
          tpu.vector_store %arg11[%swap3A_404], %gather3A_398 {strides = array<i32>} : memref<16384xi32, #tpu.memory_space<vmem>>, vector<16xi32>,
          %add3A_406 = arith.constant 16 : i32
          %add3A_407 = vector.broadcast %add3A_406 : i32 to vector<16xi32>
          %add3A_408 = arith.addi %add3A_386, %add3A_407 : vector<16xi32>
          %scan3A_409 = arith.constant 3 : i32
          %scan3A_410 = arith.addi %scan3A_343, %scan3A_409 : i32
          %sub3A_411 = arith.subi %add3A_408, %gather3A_227 : vector<16xi32>
          %lt3A_412 = arith.cmpi ult, %add3A_408, %gather3A : vector<16xi32>
          %lt3A_413 = arith.cmpi ult, %sub3A_411, %gather3A_231 : vector<16xi32>
          %ge3A_414 = arith.cmpi uge, %add3A_408, %gather3A_235 : vector<16xi32>
          %add3A_415 = arith.addi %add3A_408, %broadcast_in_dim3A_240 : vector<16xi32>
          %add3A_416 = arith.addi %sub3A_411, %broadcast_in_dim3A_243 : vector<16xi32>
          %select_n3A_417 = arith.select %ge3A_414, %broadcast_in_dim3A_66, %broadcast_in_dim3A_68 : vector<16xi1>, vector<16xi32>
          %select_n3A_418 = arith.select %lt3A_413, %add3A_416, %select_n3A_417 : vector<16xi1>, vector<16xi32>
          %select_n3A_419 = arith.select %lt3A_412, %add3A_415, %select_n3A_418 : vector<16xi1>, vector<16xi32>
          %gather3A_420 = tpu.vector_load_idx %arg7[%select_n3A_419] : memref<73744xi32, #tpu.memory_space<vmem>>[vector<16xi32>], vector<16xi32>,
          %mul3A_421 = arith.constant 512 : i32
          %mul3A_422 = arith.muli %add3A_219, %mul3A_421 : i32
          %mul3A_423 = arith.constant 16 : i32
          %mul3A_424 = arith.muli %scan3A_410, %mul3A_423 : i32
          %add3A_425 = arith.addi %mul3A_422, %mul3A_424 : i32
          %swap3A_426 = arith.index_cast %add3A_425 : i32 to index
          %swap3A_427 = tpu.vector_load %arg11[%swap3A_426] {strides = array<i32>} : memref<16384xi32, #tpu.memory_space<vmem>>, vector<16xi32>,
          tpu.vector_store %arg11[%swap3A_426], %gather3A_420 {strides = array<i32>} : memref<16384xi32, #tpu.memory_space<vmem>>, vector<16xi32>,
          %add3A_428 = arith.constant 16 : i32
          %add3A_429 = vector.broadcast %add3A_428 : i32 to vector<16xi32>
          %add3A_430 = arith.addi %add3A_408, %add3A_429 : vector<16xi32>
          scf.yield %add3A_430 : vector<16xi32>
        }
        %scan3A_275 = arith.constant 28 : i32
        %scan3A_276 = arith.addi %scan3A_270, %scan3A_275 : i32
        %sub3A_277 = arith.subi %scan3A_274, %gather3A_227 : vector<16xi32>
        %lt3A_278 = arith.cmpi ult, %scan3A_274, %gather3A : vector<16xi32>
        %lt3A_279 = arith.cmpi ult, %sub3A_277, %gather3A_231 : vector<16xi32>
        %ge3A_280 = arith.cmpi uge, %scan3A_274, %gather3A_235 : vector<16xi32>
        %add3A_281 = arith.addi %scan3A_274, %broadcast_in_dim3A_240 : vector<16xi32>
        %add3A_282 = arith.addi %sub3A_277, %broadcast_in_dim3A_243 : vector<16xi32>
        %select_n3A_283 = arith.select %ge3A_280, %broadcast_in_dim3A_66, %broadcast_in_dim3A_68 : vector<16xi1>, vector<16xi32>
        %select_n3A_284 = arith.select %lt3A_279, %add3A_282, %select_n3A_283 : vector<16xi1>, vector<16xi32>
        %select_n3A_285 = arith.select %lt3A_278, %add3A_281, %select_n3A_284 : vector<16xi1>, vector<16xi32>
        %gather3A_286 = tpu.vector_load_idx %arg7[%select_n3A_285] : memref<73744xi32, #tpu.memory_space<vmem>>[vector<16xi32>], vector<16xi32>,
        %mul3A_287 = arith.constant 512 : i32
        %mul3A_288 = arith.muli %add3A_219, %mul3A_287 : i32
        %mul3A_289 = arith.constant 16 : i32
        %mul3A_290 = arith.muli %scan3A_276, %mul3A_289 : i32
        %add3A_291 = arith.addi %mul3A_288, %mul3A_290 : i32
        %swap3A_292 = arith.index_cast %add3A_291 : i32 to index
        %swap3A_293 = tpu.vector_load %arg11[%swap3A_292] {strides = array<i32>} : memref<16384xi32, #tpu.memory_space<vmem>>, vector<16xi32>,
        tpu.vector_store %arg11[%swap3A_292], %gather3A_286 {strides = array<i32>} : memref<16384xi32, #tpu.memory_space<vmem>>, vector<16xi32>,
        %add3A_294 = arith.constant 16 : i32
        %add3A_295 = vector.broadcast %add3A_294 : i32 to vector<16xi32>
        %add3A_296 = arith.addi %scan3A_274, %add3A_295 : vector<16xi32>
        %scan3A_297 = arith.constant 29 : i32
        %scan3A_298 = arith.addi %scan3A_270, %scan3A_297 : i32
        %sub3A_299 = arith.subi %add3A_296, %gather3A_227 : vector<16xi32>
        %lt3A_300 = arith.cmpi ult, %add3A_296, %gather3A : vector<16xi32>
        %lt3A_301 = arith.cmpi ult, %sub3A_299, %gather3A_231 : vector<16xi32>
        %ge3A_302 = arith.cmpi uge, %add3A_296, %gather3A_235 : vector<16xi32>
        %add3A_303 = arith.addi %add3A_296, %broadcast_in_dim3A_240 : vector<16xi32>
        %add3A_304 = arith.addi %sub3A_299, %broadcast_in_dim3A_243 : vector<16xi32>
        %select_n3A_305 = arith.select %ge3A_302, %broadcast_in_dim3A_66, %broadcast_in_dim3A_68 : vector<16xi1>, vector<16xi32>
        %select_n3A_306 = arith.select %lt3A_301, %add3A_304, %select_n3A_305 : vector<16xi1>, vector<16xi32>
        %select_n3A_307 = arith.select %lt3A_300, %add3A_303, %select_n3A_306 : vector<16xi1>, vector<16xi32>
        %gather3A_308 = tpu.vector_load_idx %arg7[%select_n3A_307] : memref<73744xi32, #tpu.memory_space<vmem>>[vector<16xi32>], vector<16xi32>,
        %mul3A_309 = arith.constant 512 : i32
        %mul3A_310 = arith.muli %add3A_219, %mul3A_309 : i32
        %mul3A_311 = arith.constant 16 : i32
        %mul3A_312 = arith.muli %scan3A_298, %mul3A_311 : i32
        %add3A_313 = arith.addi %mul3A_310, %mul3A_312 : i32
        %swap3A_314 = arith.index_cast %add3A_313 : i32 to index
        %swap3A_315 = tpu.vector_load %arg11[%swap3A_314] {strides = array<i32>} : memref<16384xi32, #tpu.memory_space<vmem>>, vector<16xi32>,
        tpu.vector_store %arg11[%swap3A_314], %gather3A_308 {strides = array<i32>} : memref<16384xi32, #tpu.memory_space<vmem>>, vector<16xi32>,
        %add3A_316 = arith.constant 16 : i32
        %add3A_317 = vector.broadcast %add3A_316 : i32 to vector<16xi32>
        %add3A_318 = arith.addi %add3A_296, %add3A_317 : vector<16xi32>
        %scan3A_319 = arith.constant 30 : i32
        %scan3A_320 = arith.addi %scan3A_270, %scan3A_319 : i32
        %sub3A_321 = arith.subi %add3A_318, %gather3A_227 : vector<16xi32>
        %lt3A_322 = arith.cmpi ult, %add3A_318, %gather3A : vector<16xi32>
        %lt3A_323 = arith.cmpi ult, %sub3A_321, %gather3A_231 : vector<16xi32>
        %ge3A_324 = arith.cmpi uge, %add3A_318, %gather3A_235 : vector<16xi32>
        %add3A_325 = arith.addi %add3A_318, %broadcast_in_dim3A_240 : vector<16xi32>
        %add3A_326 = arith.addi %sub3A_321, %broadcast_in_dim3A_243 : vector<16xi32>
        %select_n3A_327 = arith.select %ge3A_324, %broadcast_in_dim3A_66, %broadcast_in_dim3A_68 : vector<16xi1>, vector<16xi32>
        %select_n3A_328 = arith.select %lt3A_323, %add3A_326, %select_n3A_327 : vector<16xi1>, vector<16xi32>
        %select_n3A_329 = arith.select %lt3A_322, %add3A_325, %select_n3A_328 : vector<16xi1>, vector<16xi32>
        %gather3A_330 = tpu.vector_load_idx %arg7[%select_n3A_329] : memref<73744xi32, #tpu.memory_space<vmem>>[vector<16xi32>], vector<16xi32>,
        %mul3A_331 = arith.constant 512 : i32
        %mul3A_332 = arith.muli %add3A_219, %mul3A_331 : i32
        %mul3A_333 = arith.constant 16 : i32
        %mul3A_334 = arith.muli %scan3A_320, %mul3A_333 : i32
        %add3A_335 = arith.addi %mul3A_332, %mul3A_334 : i32
        %swap3A_336 = arith.index_cast %add3A_335 : i32 to index
        %swap3A_337 = tpu.vector_load %arg11[%swap3A_336] {strides = array<i32>} : memref<16384xi32, #tpu.memory_space<vmem>>, vector<16xi32>,
        tpu.vector_store %arg11[%swap3A_336], %gather3A_330 {strides = array<i32>} : memref<16384xi32, #tpu.memory_space<vmem>>, vector<16xi32>,
        %add3A_338 = arith.constant 16 : i32
        %add3A_339 = vector.broadcast %add3A_338 : i32 to vector<16xi32>
        %add3A_340 = arith.addi %add3A_318, %add3A_339 : vector<16xi32>
        %scan3A_341 = arith.constant 31 : i32
        %scan3A_342 = arith.constant 0 : i32
        scf.yield %scan3A_342 : i32
      }
      %scan3A_203 = arith.constant 16 : i32
      %mul3A_204 = arith.constant 16 : i32
      %mul3A_205 = arith.muli %add3A_158, %mul3A_204 : i32
      %add3A_206 = arith.addi %mul3A_2, %mul3A_205 : i32
      %mul3A_207 = arith.constant 512 : i32
      %mul3A_208 = arith.muli %add3A_206, %mul3A_207 : i32
      %dma_start3A_209 = arith.constant 8192 : i32
      %dma_start3A_210 = tpu.memref_slice %arg11[%dma_start3A_209] : memref<16384xi32, #tpu.memory_space<vmem>> -> memref<8192xi32, #tpu.memory_space<vmem>>
      %dma_start3A_211 = tpu.memref_slice %arg6[%mul3A_208] : memref<2097152xi32, #tpu.memory_space<hbm>> -> memref<8192xi32, #tpu.memory_space<hbm>>
      %dma_start3A_212 = tpu.memref_slice %arg6[%mul3A_208] : memref<2097152xi32, #tpu.memory_space<hbm>> -> memref<8192xi32, #tpu.memory_space<hbm>>
      %dma_start3A_213 = arith.constant 8192 : i32
      %dma_start3A_214 = tpu.memref_slice %arg11[%dma_start3A_213] : memref<16384xi32, #tpu.memory_space<vmem>> -> memref<8192xi32, #tpu.memory_space<vmem>>
      tpu.enqueue_dma source(%dma_start3A_214 : memref<8192xi32, #tpu.memory_space<vmem>>) target(%dma_start3A_212 : memref<8192xi32, #tpu.memory_space<hbm>>) target_semaphore(%arg13 : memref<!tpu.dma_semaphore, #tpu.memory_space<semaphore_mem>>)
      %scan3A_215 = arith.constant 0 : i32
      scf.yield %scan3A_215 : i32
    }
    %scan3A_77 = arith.constant 3 : i32
    %add3A_78 = arith.constant 64 : i32
    %add3A_79 = arith.addi %mul3A_2, %add3A_78 : i32
    %mul3A_80 = arith.constant 512 : i32
    %mul3A_81 = arith.muli %add3A_79, %mul3A_80 : i32
    %dma_wait3A = arith.constant 0 : i32
    %dma_wait3A_82 = tpu.memref_slice %arg11[%dma_wait3A] : memref<16384xi32, #tpu.memory_space<vmem>> -> memref<8192xi32, #tpu.memory_space<vmem>>
    %dma_wait3A_83 = tpu.memref_slice %arg6[%mul3A_81] : memref<2097152xi32, #tpu.memory_space<hbm>> -> memref<8192xi32, #tpu.memory_space<hbm>>
    %dma_wait3A_84 = tpu.memref_slice %arg6[%mul3A_81] : memref<2097152xi32, #tpu.memory_space<hbm>> -> memref<8192xi32, #tpu.memory_space<hbm>>
    %dma_wait3A_85 = arith.constant 0 : i32
    %dma_wait3A_86 = tpu.memref_slice %arg11[%dma_wait3A_85] : memref<16384xi32, #tpu.memory_space<vmem>> -> memref<8192xi32, #tpu.memory_space<vmem>>
    tpu.wait_dma2 semaphore(%arg12 : memref<!tpu.dma_semaphore, #tpu.memory_space<semaphore_mem>>) src(%dma_wait3A_86 : memref<8192xi32, #tpu.memory_space<vmem>>) dst(%dma_wait3A_84 : memref<8192xi32, #tpu.memory_space<hbm>>)
    %add3A_87 = arith.constant 80 : i32
    %add3A_88 = arith.addi %mul3A_2, %add3A_87 : i32
    %mul3A_89 = arith.constant 512 : i32
    %mul3A_90 = arith.muli %add3A_88, %mul3A_89 : i32
    %dma_wait3A_91 = arith.constant 8192 : i32
    %dma_wait3A_92 = tpu.memref_slice %arg11[%dma_wait3A_91] : memref<16384xi32, #tpu.memory_space<vmem>> -> memref<8192xi32, #tpu.memory_space<vmem>>
    %dma_wait3A_93 = tpu.memref_slice %arg6[%mul3A_90] : memref<2097152xi32, #tpu.memory_space<hbm>> -> memref<8192xi32, #tpu.memory_space<hbm>>
    %dma_wait3A_94 = tpu.memref_slice %arg6[%mul3A_90] : memref<2097152xi32, #tpu.memory_space<hbm>> -> memref<8192xi32, #tpu.memory_space<hbm>>
    %dma_wait3A_95 = arith.constant 8192 : i32
    %dma_wait3A_96 = tpu.memref_slice %arg11[%dma_wait3A_95] : memref<16384xi32, #tpu.memory_space<vmem>> -> memref<8192xi32, #tpu.memory_space<vmem>>
    tpu.wait_dma2 semaphore(%arg13 : memref<!tpu.dma_semaphore, #tpu.memory_space<semaphore_mem>>) src(%dma_wait3A_96 : memref<8192xi32, #tpu.memory_space<vmem>>) dst(%dma_wait3A_94 : memref<8192xi32, #tpu.memory_space<hbm>>)
    return
  }
}

module attributes {stable_mosaic.version = 14 : i64} {
  func.func @_tc_body(%arg0: i32, %arg1: memref<256x384xi32, #tpu.memory_space<vmem>>, %arg2: memref<256x384xi32, #tpu.memory_space<vmem>>, %arg3: memref<256x1xi32, #tpu.memory_space<vmem>>, %arg4: memref<256x1xi32, #tpu.memory_space<vmem>>, %arg5: memref<256x512xi32, #tpu.memory_space<vmem>>) attributes {dimension_semantics = [#tpu.dimension_semantics<arbitrary>], iteration_bounds = array<i64: 4>, scalar_prefetch = 0 : i64, scratch_operands = 0 : i64, tpu.core_type = #tpu.core_type<tc>, window_params = [{transform_indices = @transform_0, window_bounds = array<i64: 256, 384>}, {transform_indices = @transform_1, window_bounds = array<i64: 256, 384>}, {transform_indices = @transform_2, window_bounds = array<i64: 256, 1>}, {transform_indices = @transform_3, window_bounds = array<i64: 256, 1>}, {transform_indices = @transform_4, window_bounds = array<i64: 256, 512>}]} {
    %get3A = arith.constant 0 : index
    %get3A_0 = arith.constant 0 : index
    %get3A_1 = vector.load %arg3[%get3A, %get3A_0] : memref<256x1xi32, #tpu.memory_space<vmem>>, vector<256x1xi32>
    %get3A_2 = arith.constant 0 : index
    %get3A_3 = arith.constant 0 : index
    %get3A_4 = vector.load %arg4[%get3A_2, %get3A_3] : memref<256x1xi32, #tpu.memory_space<vmem>>, vector<256x1xi32>
    %sub3A = arith.constant 508 : i32
    %sub3A_5 = vector.broadcast %sub3A : i32 to vector<256x1xi32>
    %sub3A_6 = arith.subi %sub3A_5, %get3A_4 : vector<256x1xi32>
    %max3A = arith.constant 254 : i32
    %max3A_7 = vector.broadcast %max3A : i32 to vector<256x1xi32>
    %max3A_8 = arith.maxsi %max3A_7, %sub3A_6 : vector<256x1xi32>
    %min3A = arith.minsi %get3A_1, %max3A_8 : vector<256x1xi32>
    %sub3A_9 = arith.constant 508 : i32
    %sub3A_10 = vector.broadcast %sub3A_9 : i32 to vector<256x1xi32>
    %sub3A_11 = arith.subi %sub3A_10, %get3A_1 : vector<256x1xi32>
    %max3A_12 = arith.constant 254 : i32
    %max3A_13 = vector.broadcast %max3A_12 : i32 to vector<256x1xi32>
    %max3A_14 = arith.maxsi %max3A_13, %sub3A_11 : vector<256x1xi32>
    %min3A_15 = arith.minsi %get3A_4, %max3A_14 : vector<256x1xi32>
    %add3A = arith.constant 3 : i32
    %add3A_16 = vector.broadcast %add3A : i32 to vector<256x1xi32>
    %add3A_17 = arith.addi %min3A, %add3A_16 : vector<256x1xi32>
    %add3A_18 = arith.addi %add3A_17, %min3A_15 : vector<256x1xi32>
    %iota3A = tpu.iota {dimensions = array<i32: 1>} : vector<256x512xi32>
    %broadcast_in_dim3A = arith.constant 0 : i32
    %broadcast_in_dim3A_19 = vector.broadcast %broadcast_in_dim3A : i32 to vector<256x128xi32>
    %get3A_20 = arith.constant 0 : index
    %get3A_21 = arith.constant 0 : index
    %get3A_22 = vector.load %arg1[%get3A_20, %get3A_21] : memref<256x384xi32, #tpu.memory_space<vmem>>, vector<256x384xi32>
    %concatenate3A = tpu.concatenate %get3A_22, %broadcast_in_dim3A_19 in 1 : vector<256x384xi32>, vector<256x128xi32> -> vector<256x512xi32>
    %get3A_23 = arith.constant 0 : index
    %get3A_24 = arith.constant 0 : index
    %get3A_25 = vector.load %arg2[%get3A_23, %get3A_24] : memref<256x384xi32, #tpu.memory_space<vmem>>, vector<256x384xi32>
    %concatenate3A_26 = tpu.concatenate %get3A_25, %broadcast_in_dim3A_19 in 1 : vector<256x384xi32>, vector<256x128xi32> -> vector<256x512xi32>
    %roll3A = arith.constant 1 : i32
    %roll3A_27 = tpu.dynamic_rotate %concatenate3A by %roll3A dim 1 : vector<256x512xi32>, i32 -> vector<256x512xi32>
    %roll3A_28 = arith.constant 1 : i32
    %roll3A_29 = tpu.dynamic_rotate %concatenate3A_26 by %roll3A_28 dim 1 : vector<256x512xi32>, i32 -> vector<256x512xi32>
    %shift_right_arithmetic3A = arith.constant 0 : i32
    %shift_right_arithmetic3A_30 = vector.broadcast %shift_right_arithmetic3A : i32 to vector<256x1xi32>
    %shift_right_arithmetic3A_31 = arith.shrsi %add3A_17, %shift_right_arithmetic3A_30 : vector<256x1xi32>
    %and3A = arith.constant 1 : i32
    %and3A_32 = vector.broadcast %and3A : i32 to vector<256x1xi32>
    %and3A_33 = arith.andi %shift_right_arithmetic3A_31, %and3A_32 : vector<256x1xi32>
    %eq3A = arith.constant 1 : i32
    %eq3A_34 = vector.broadcast %eq3A : i32 to vector<256x1xi32>
    %eq3A_35 = arith.cmpi eq, %and3A_33, %eq3A_34 : vector<256x1xi32>
    %broadcast_in_dim3A_36 = vector.shape_cast %eq3A_35 : vector<256x1xi1> to vector<256x1xi1>
    %broadcast_in_dim3A_37 = vector.broadcast %broadcast_in_dim3A_36 : vector<256x1xi1> to vector<256x512xi1>
    %select_n3A = arith.select %broadcast_in_dim3A_37, %roll3A_29, %concatenate3A_26 : vector<256x512xi1>, vector<256x512xi32>
    %roll3A_38 = arith.constant 2 : i32
    %roll3A_39 = tpu.dynamic_rotate %select_n3A by %roll3A_38 dim 1 : vector<256x512xi32>, i32 -> vector<256x512xi32>
    %shift_right_arithmetic3A_40 = arith.constant 1 : i32
    %shift_right_arithmetic3A_41 = vector.broadcast %shift_right_arithmetic3A_40 : i32 to vector<256x1xi32>
    %shift_right_arithmetic3A_42 = arith.shrsi %add3A_17, %shift_right_arithmetic3A_41 : vector<256x1xi32>
    %and3A_43 = arith.constant 1 : i32
    %and3A_44 = vector.broadcast %and3A_43 : i32 to vector<256x1xi32>
    %and3A_45 = arith.andi %shift_right_arithmetic3A_42, %and3A_44 : vector<256x1xi32>
    %eq3A_46 = arith.constant 1 : i32
    %eq3A_47 = vector.broadcast %eq3A_46 : i32 to vector<256x1xi32>
    %eq3A_48 = arith.cmpi eq, %and3A_45, %eq3A_47 : vector<256x1xi32>
    %broadcast_in_dim3A_49 = vector.shape_cast %eq3A_48 : vector<256x1xi1> to vector<256x1xi1>
    %broadcast_in_dim3A_50 = vector.broadcast %broadcast_in_dim3A_49 : vector<256x1xi1> to vector<256x512xi1>
    %select_n3A_51 = arith.select %broadcast_in_dim3A_50, %roll3A_39, %select_n3A : vector<256x512xi1>, vector<256x512xi32>
    %roll3A_52 = arith.constant 4 : i32
    %roll3A_53 = tpu.dynamic_rotate %select_n3A_51 by %roll3A_52 dim 1 : vector<256x512xi32>, i32 -> vector<256x512xi32>
    %shift_right_arithmetic3A_54 = arith.constant 2 : i32
    %shift_right_arithmetic3A_55 = vector.broadcast %shift_right_arithmetic3A_54 : i32 to vector<256x1xi32>
    %shift_right_arithmetic3A_56 = arith.shrsi %add3A_17, %shift_right_arithmetic3A_55 : vector<256x1xi32>
    %and3A_57 = arith.constant 1 : i32
    %and3A_58 = vector.broadcast %and3A_57 : i32 to vector<256x1xi32>
    %and3A_59 = arith.andi %shift_right_arithmetic3A_56, %and3A_58 : vector<256x1xi32>
    %eq3A_60 = arith.constant 1 : i32
    %eq3A_61 = vector.broadcast %eq3A_60 : i32 to vector<256x1xi32>
    %eq3A_62 = arith.cmpi eq, %and3A_59, %eq3A_61 : vector<256x1xi32>
    %broadcast_in_dim3A_63 = vector.shape_cast %eq3A_62 : vector<256x1xi1> to vector<256x1xi1>
    %broadcast_in_dim3A_64 = vector.broadcast %broadcast_in_dim3A_63 : vector<256x1xi1> to vector<256x512xi1>
    %select_n3A_65 = arith.select %broadcast_in_dim3A_64, %roll3A_53, %select_n3A_51 : vector<256x512xi1>, vector<256x512xi32>
    %roll3A_66 = arith.constant 8 : i32
    %roll3A_67 = tpu.dynamic_rotate %select_n3A_65 by %roll3A_66 dim 1 : vector<256x512xi32>, i32 -> vector<256x512xi32>
    %shift_right_arithmetic3A_68 = arith.constant 3 : i32
    %shift_right_arithmetic3A_69 = vector.broadcast %shift_right_arithmetic3A_68 : i32 to vector<256x1xi32>
    %shift_right_arithmetic3A_70 = arith.shrsi %add3A_17, %shift_right_arithmetic3A_69 : vector<256x1xi32>
    %and3A_71 = arith.constant 1 : i32
    %and3A_72 = vector.broadcast %and3A_71 : i32 to vector<256x1xi32>
    %and3A_73 = arith.andi %shift_right_arithmetic3A_70, %and3A_72 : vector<256x1xi32>
    %eq3A_74 = arith.constant 1 : i32
    %eq3A_75 = vector.broadcast %eq3A_74 : i32 to vector<256x1xi32>
    %eq3A_76 = arith.cmpi eq, %and3A_73, %eq3A_75 : vector<256x1xi32>
    %broadcast_in_dim3A_77 = vector.shape_cast %eq3A_76 : vector<256x1xi1> to vector<256x1xi1>
    %broadcast_in_dim3A_78 = vector.broadcast %broadcast_in_dim3A_77 : vector<256x1xi1> to vector<256x512xi1>
    %select_n3A_79 = arith.select %broadcast_in_dim3A_78, %roll3A_67, %select_n3A_65 : vector<256x512xi1>, vector<256x512xi32>
    %roll3A_80 = arith.constant 16 : i32
    %roll3A_81 = tpu.dynamic_rotate %select_n3A_79 by %roll3A_80 dim 1 : vector<256x512xi32>, i32 -> vector<256x512xi32>
    %shift_right_arithmetic3A_82 = arith.constant 4 : i32
    %shift_right_arithmetic3A_83 = vector.broadcast %shift_right_arithmetic3A_82 : i32 to vector<256x1xi32>
    %shift_right_arithmetic3A_84 = arith.shrsi %add3A_17, %shift_right_arithmetic3A_83 : vector<256x1xi32>
    %and3A_85 = arith.constant 1 : i32
    %and3A_86 = vector.broadcast %and3A_85 : i32 to vector<256x1xi32>
    %and3A_87 = arith.andi %shift_right_arithmetic3A_84, %and3A_86 : vector<256x1xi32>
    %eq3A_88 = arith.constant 1 : i32
    %eq3A_89 = vector.broadcast %eq3A_88 : i32 to vector<256x1xi32>
    %eq3A_90 = arith.cmpi eq, %and3A_87, %eq3A_89 : vector<256x1xi32>
    %broadcast_in_dim3A_91 = vector.shape_cast %eq3A_90 : vector<256x1xi1> to vector<256x1xi1>
    %broadcast_in_dim3A_92 = vector.broadcast %broadcast_in_dim3A_91 : vector<256x1xi1> to vector<256x512xi1>
    %select_n3A_93 = arith.select %broadcast_in_dim3A_92, %roll3A_81, %select_n3A_79 : vector<256x512xi1>, vector<256x512xi32>
    %roll3A_94 = arith.constant 32 : i32
    %roll3A_95 = tpu.dynamic_rotate %select_n3A_93 by %roll3A_94 dim 1 : vector<256x512xi32>, i32 -> vector<256x512xi32>
    %shift_right_arithmetic3A_96 = arith.constant 5 : i32
    %shift_right_arithmetic3A_97 = vector.broadcast %shift_right_arithmetic3A_96 : i32 to vector<256x1xi32>
    %shift_right_arithmetic3A_98 = arith.shrsi %add3A_17, %shift_right_arithmetic3A_97 : vector<256x1xi32>
    %and3A_99 = arith.constant 1 : i32
    %and3A_100 = vector.broadcast %and3A_99 : i32 to vector<256x1xi32>
    %and3A_101 = arith.andi %shift_right_arithmetic3A_98, %and3A_100 : vector<256x1xi32>
    %eq3A_102 = arith.constant 1 : i32
    %eq3A_103 = vector.broadcast %eq3A_102 : i32 to vector<256x1xi32>
    %eq3A_104 = arith.cmpi eq, %and3A_101, %eq3A_103 : vector<256x1xi32>
    %broadcast_in_dim3A_105 = vector.shape_cast %eq3A_104 : vector<256x1xi1> to vector<256x1xi1>
    %broadcast_in_dim3A_106 = vector.broadcast %broadcast_in_dim3A_105 : vector<256x1xi1> to vector<256x512xi1>
    %select_n3A_107 = arith.select %broadcast_in_dim3A_106, %roll3A_95, %select_n3A_93 : vector<256x512xi1>, vector<256x512xi32>
    %roll3A_108 = arith.constant 64 : i32
    %roll3A_109 = tpu.dynamic_rotate %select_n3A_107 by %roll3A_108 dim 1 : vector<256x512xi32>, i32 -> vector<256x512xi32>
    %shift_right_arithmetic3A_110 = arith.constant 6 : i32
    %shift_right_arithmetic3A_111 = vector.broadcast %shift_right_arithmetic3A_110 : i32 to vector<256x1xi32>
    %shift_right_arithmetic3A_112 = arith.shrsi %add3A_17, %shift_right_arithmetic3A_111 : vector<256x1xi32>
    %and3A_113 = arith.constant 1 : i32
    %and3A_114 = vector.broadcast %and3A_113 : i32 to vector<256x1xi32>
    %and3A_115 = arith.andi %shift_right_arithmetic3A_112, %and3A_114 : vector<256x1xi32>
    %eq3A_116 = arith.constant 1 : i32
    %eq3A_117 = vector.broadcast %eq3A_116 : i32 to vector<256x1xi32>
    %eq3A_118 = arith.cmpi eq, %and3A_115, %eq3A_117 : vector<256x1xi32>
    %broadcast_in_dim3A_119 = vector.shape_cast %eq3A_118 : vector<256x1xi1> to vector<256x1xi1>
    %broadcast_in_dim3A_120 = vector.broadcast %broadcast_in_dim3A_119 : vector<256x1xi1> to vector<256x512xi1>
    %select_n3A_121 = arith.select %broadcast_in_dim3A_120, %roll3A_109, %select_n3A_107 : vector<256x512xi1>, vector<256x512xi32>
    %roll3A_122 = arith.constant 128 : i32
    %roll3A_123 = tpu.dynamic_rotate %select_n3A_121 by %roll3A_122 dim 1 : vector<256x512xi32>, i32 -> vector<256x512xi32>
    %shift_right_arithmetic3A_124 = arith.constant 7 : i32
    %shift_right_arithmetic3A_125 = vector.broadcast %shift_right_arithmetic3A_124 : i32 to vector<256x1xi32>
    %shift_right_arithmetic3A_126 = arith.shrsi %add3A_17, %shift_right_arithmetic3A_125 : vector<256x1xi32>
    %and3A_127 = arith.constant 1 : i32
    %and3A_128 = vector.broadcast %and3A_127 : i32 to vector<256x1xi32>
    %and3A_129 = arith.andi %shift_right_arithmetic3A_126, %and3A_128 : vector<256x1xi32>
    %eq3A_130 = arith.constant 1 : i32
    %eq3A_131 = vector.broadcast %eq3A_130 : i32 to vector<256x1xi32>
    %eq3A_132 = arith.cmpi eq, %and3A_129, %eq3A_131 : vector<256x1xi32>
    %broadcast_in_dim3A_133 = vector.shape_cast %eq3A_132 : vector<256x1xi1> to vector<256x1xi1>
    %broadcast_in_dim3A_134 = vector.broadcast %broadcast_in_dim3A_133 : vector<256x1xi1> to vector<256x512xi1>
    %select_n3A_135 = arith.select %broadcast_in_dim3A_134, %roll3A_123, %select_n3A_121 : vector<256x512xi1>, vector<256x512xi32>
    %roll3A_136 = arith.constant 256 : i32
    %roll3A_137 = tpu.dynamic_rotate %select_n3A_135 by %roll3A_136 dim 1 : vector<256x512xi32>, i32 -> vector<256x512xi32>
    %shift_right_arithmetic3A_138 = arith.constant 8 : i32
    %shift_right_arithmetic3A_139 = vector.broadcast %shift_right_arithmetic3A_138 : i32 to vector<256x1xi32>
    %shift_right_arithmetic3A_140 = arith.shrsi %add3A_17, %shift_right_arithmetic3A_139 : vector<256x1xi32>
    %and3A_141 = arith.constant 1 : i32
    %and3A_142 = vector.broadcast %and3A_141 : i32 to vector<256x1xi32>
    %and3A_143 = arith.andi %shift_right_arithmetic3A_140, %and3A_142 : vector<256x1xi32>
    %eq3A_144 = arith.constant 1 : i32
    %eq3A_145 = vector.broadcast %eq3A_144 : i32 to vector<256x1xi32>
    %eq3A_146 = arith.cmpi eq, %and3A_143, %eq3A_145 : vector<256x1xi32>
    %broadcast_in_dim3A_147 = vector.shape_cast %eq3A_146 : vector<256x1xi1> to vector<256x1xi1>
    %broadcast_in_dim3A_148 = vector.broadcast %broadcast_in_dim3A_147 : vector<256x1xi1> to vector<256x512xi1>
    %select_n3A_149 = arith.select %broadcast_in_dim3A_148, %roll3A_137, %select_n3A_135 : vector<256x512xi1>, vector<256x512xi32>
    %le3A = vector.broadcast %min3A : vector<256x1xi32> to vector<256x512xi32>
    %le3A_150 = arith.cmpi sle, %iota3A, %le3A : vector<256x512xi32>
    %lt3A = vector.broadcast %add3A_17 : vector<256x1xi32> to vector<256x512xi32>
    %lt3A_151 = arith.cmpi slt, %iota3A, %lt3A : vector<256x512xi32>
    %lt3A_152 = vector.broadcast %add3A_18 : vector<256x1xi32> to vector<256x512xi32>
    %lt3A_153 = arith.cmpi slt, %iota3A, %lt3A_152 : vector<256x512xi32>
    %eq3A_154 = vector.broadcast %add3A_18 : vector<256x1xi32> to vector<256x512xi32>
    %eq3A_155 = arith.cmpi eq, %iota3A, %eq3A_154 : vector<256x512xi32>
    %jit3A = arith.constant 2 : i32
    %jit3A_156 = arith.constant 1 : i32
    %broadcast_in_dim3A_157 = vector.broadcast %jit3A : i32 to vector<256x512xi32>
    %broadcast_in_dim3A_158 = vector.broadcast %jit3A_156 : i32 to vector<256x512xi32>
    %select_n3A_159 = arith.select %eq3A_155, %broadcast_in_dim3A_157, %broadcast_in_dim3A_158 : vector<256x512xi1>, vector<256x512xi32>
    %select_n3A_160 = arith.select %lt3A_153, %select_n3A_149, %select_n3A_159 : vector<256x512xi1>, vector<256x512xi32>
    %jit3A_161 = arith.constant 2 : i32
    %broadcast_in_dim3A_162 = vector.broadcast %jit3A_161 : i32 to vector<256x512xi32>
    %select_n3A_163 = arith.select %lt3A_151, %broadcast_in_dim3A_162, %select_n3A_160 : vector<256x512xi1>, vector<256x512xi32>
    %select_n3A_164 = arith.select %le3A_150, %roll3A_27, %select_n3A_163 : vector<256x512xi1>, vector<256x512xi32>
    %eq3A_165 = arith.constant 0 : i32
    %eq3A_166 = vector.broadcast %eq3A_165 : i32 to vector<256x512xi32>
    %eq3A_167 = arith.cmpi eq, %iota3A, %eq3A_166 : vector<256x512xi32>
    %jit3A_168 = arith.constant 0 : i32
    %broadcast_in_dim3A_169 = vector.broadcast %jit3A_168 : i32 to vector<256x512xi32>
    %select_n3A_170 = arith.select %eq3A_167, %broadcast_in_dim3A_169, %select_n3A_164 : vector<256x512xi1>, vector<256x512xi32>
    %swap3A = arith.constant 0 : index
    %swap3A_171 = arith.constant 0 : index
    %swap3A_172 = vector.load %arg5[%swap3A, %swap3A_171] : memref<256x512xi32, #tpu.memory_space<vmem>>, vector<256x512xi32>
    tpu.vector_store %arg5[%swap3A, %swap3A_171], %select_n3A_170 {strides = array<i32>} : memref<256x512xi32, #tpu.memory_space<vmem>>, vector<256x512xi32>,
    return
  }
  func.func @transform_0(%arg0: i32) -> (i32, i32) {
    %c0_i32 = arith.constant 0 : i32
    %c0_i32_0 = arith.constant 0 : i32
    return %arg0, %c0_i32 : i32, i32
  }
  func.func @transform_1(%arg0: i32) -> (i32, i32) {
    %c0_i32 = arith.constant 0 : i32
    %c0_i32_0 = arith.constant 0 : i32
    return %arg0, %c0_i32 : i32, i32
  }
  func.func @transform_2(%arg0: i32) -> (i32, i32) {
    %c0_i32 = arith.constant 0 : i32
    %c0_i32_0 = arith.constant 0 : i32
    return %arg0, %c0_i32 : i32, i32
  }
  func.func @transform_3(%arg0: i32) -> (i32, i32) {
    %c0_i32 = arith.constant 0 : i32
    %c0_i32_0 = arith.constant 0 : i32
    return %arg0, %c0_i32 : i32, i32
  }
  func.func @transform_4(%arg0: i32) -> (i32, i32) {
    %c0_i32 = arith.constant 0 : i32
    %c0_i32_0 = arith.constant 0 : i32
    return %arg0, %c0_i32 : i32, i32
  }
}

</mosaic_0001>

<sc_bundles>
// kernel: kernel.4.cloned.1.call-start
scs
__scs_entry_jumppad:
0x0: {  	(pc) =	sbr.rel $0x88, $3  }
0x1: {  	(tag) =	ssettag $0x0;
	lr =	simm.s32 $0x1  }
0x2: {  	[smem:$0x3F9D] =	sst lr;
	_ =	strace $0xD0000000  }
0x3: {  	_ = 	snop  }
0x4: {  	_ = 	snop  }
0x5: {  	_ = 	snop  }
0x6: {  	_ = 	snop  }
0x7: {  	_ = 	snop  }
__scs_overlays_trampoline_lowered:
0x8: {  	[smem:$0x3FAC] =	sst s0  }
0x9: {  	[smem:$0x3FAD] =	sst s1  }
0xa: {  	[smem:$0x3FAE] =	sst s2  }
0xb: {  	[smem:$0x3FAF] =	sst s3  }
0xc: {  	[smem:$0x3FB0] =	sst s4  }
0xd: {  	[smem:$0x3FB1] =	sst s5  }
0xe: {  	[smem:$0x3FB2] =	sst s6  }
0xf: {  	[smem:$0x3FB3] =	sst s7  }
0x10: {  	[smem:$0x3FB4] =	sst s8  }
0x11: {  	[smem:$0x3FB5] =	sst s9;
	s0 =	simm.s32 @!p0 $0x0  }
0x12: {  	s1 =	sld [smem:$0x3F9B];
	s0 =	simm.s32 @p0 $0x1  }
0x13: {  	[smem:$0x3FB6] =	sst s0;
	s0 =	simm.s32 @!p1 $0x0  }
0x14: {  	s2 =	sld [smem:$0x3F9A];
	s0 =	simm.s32 @p1 $0x1  }
0x15: {  	[smem:$0x3FB7] =	sst s0;
	s0 =	simm.s32 @!p2 $0x0  }
0x16: {  	s3 =	sld [smem:$0x3FDB];
	s0 =	simm.s32 @p2 $0x1  }
0x17: {  	s4 =	simm.s32 $0x1BF5;
	[smem:$0x3FB9] =	sst s0  }
0x18: {  	s0 =	sld [smem:$0x3F9C];
	_ =	swait.ge [sflag:s4], $0x0  }
0x19: {  	s7 =	sld [smem:$0x3F9D]  }
0x1a: {  	s8 =	sadd.s32 $0xFFFFE003, lr  }
0x1b: {  	s9 =	sadd.s32 $0xFFFFFEF7, lr;
	s5 =	simm.s32 $0xFFFFFFFF;
	p2 =	slt.u32 s8, $0xFFFFF086  }
0x1c: {  	p1 =	slt.u32 s9, $0xF7A;
	s5 =	simm.s32 @!p2 $0x0  }
0x1d: {  	s5 =	simm.s32 @p1 $0x1;
	p0 =	seq.s32 s7, s2  }
0x1e: {  	s7 =	smul.u32 @!p0 $0xF7A, s2;
	p2 =	seq.s32 @!p0 s5, $0x0  }
0x1f: {  	s9 =	smul.u32 $0xF7A, s1;
	s8 =	simm.s32 @!p0 $0x1BF5;
	p2 =	por !p2, p0  }
0x20: {  	[sflag:s8] =	ssyncset.s32 @!p0 $0xFFFFF086;
	s6 =	sadd.s32 @!p0 s3, s7;
	s7 =	simm.s32 @!p0 $0x108  }
0x21: {  	s3 =	sadd.s32 s3, s9;
	s6 =	sadd.s32 @!p0 $0x88, s6;
	s7 =	simm.s32 @p2 $0x1082  }
0x22: {  	[simem:s7], [sflag:s8] =	dma.local @!p0 [hbm:s6], $0xF7A  }
0x23: {  	s9 =	sor.u32 $0xD0000000, s2;
	s6 =	simm.s32 $0x108;
	_ =	swait.ge @!p0 [sflag:s8], $0x0  }
0x24: {  	s3 =	sadd.s32 $0x88, s3;
	s6 =	simm.s32 @!p1 $0x1082;
	[sflag:s4] =	ssyncset.s32 $0xFFFFF086  }
0x25: {  	[simem:s6], [sflag:s4] =	dma.local [hbm:s3], $0xF7A  }
0x26: {  	[smem:$0x3F9D] =	sst s1;
	(tag) =	ssettag s2;
	_ =	strace s9  }
0x27: {  	s1 =	sld [smem:$0x3FAD]  }
0x28: {  	s2 =	sld [smem:$0x3FAE]  }
0x29: {  	s4 =	sld [smem:$0x3FB0]  }
0x2a: {  	p0 =	seq.s32 s5, $0x0;
	s5 =	sld [smem:$0x3FB1]  }
0x2b: {  	s6 =	sld [smem:$0x3FB2]  }
0x2c: {  	s7 =	sld [smem:$0x3FB3]  }
0x2d: {  	s3 =	simm.s32 $0x108;
	s8 =	sld [smem:$0x3FB4]  }
0x2e: {  	s3 =	simm.s32 @!p0 $0x1082;
	s9 =	sld [smem:$0x3FB5]  }
0x2f: {  	lr =	sadd.s32 s0, s3;
	s0 =	sld [smem:$0x3FAC]  }
0x30: {  	s3 =	sld [smem:$0x3FAF]  }
0x31: {  	[smem:$0x3FB8] =	sst s10  }
0x32: {  	s10 =	sld [smem:$0x3FB6];
	_ =	sdelay $0x3  }
0x33: {  	p0 =	seq.s32 s10, $0x1;
	s10 =	sld [smem:$0x3FB8];
	_ =	sdelay $0x3  }
0x34: {  	[smem:$0x3FB8] =	sst s10  }
0x35: {  	s10 =	sld [smem:$0x3FB7];
	_ =	sdelay $0x3  }
0x36: {  	p1 =	seq.s32 s10, $0x1;
	s10 =	sld [smem:$0x3FB8];
	_ =	sdelay $0x3  }
0x37: {  	[smem:$0x3FB8] =	sst s10  }
0x38: {  	s10 =	sld [smem:$0x3FB9]  }
0x39: {  	_ = 	snop;
	(pc) =	sbr.ind lr, $3  }
0x3a: {  	_ = 	snop  }
0x3b: {  	_ = 	snop  }
0x3c: {  	p2 =	seq.s32 s10, $0x1;
	s10 =	sld [smem:$0x3FB8]  }
0x3d: {  	_ =	shalt  }
0x3e: {  	_ =	shalt  }
0x3f: {  	_ =	shalt  }
0x40: {  	_ =	shalt  }
0x41: {  	_ =	shalt  }
0x42: {  	_ =	shalt  }
0x43: {  	_ =	shalt  }
0x44: {  	_ =	shalt  }
0x45: {  	_ =	shalt  }
0x46: {  	_ =	shalt  }
0x47: {  	_ =	shalt  }
0x48: {  	_ =	shalt  }
0x49: {  	_ =	shalt  }
0x4a: {  	_ =	shalt  }
0x4b: {  	_ =	shalt  }
0x4c: {  	_ =	shalt  }
0x4d: {  	_ =	shalt  }
0x4e: {  	_ =	shalt  }
0x4f: {  	_ =	shalt  }
0x50: {  	_ =	shalt  }
0x51: {  	_ =	shalt  }
0x52: {  	_ =	shalt  }
0x53: {  	_ =	shalt  }
0x54: {  	_ =	shalt  }
0x55: {  	_ =	shalt  }
0x56: {  	_ =	shalt  }
0x57: {  	_ =	shalt  }
0x58: {  	_ =	shalt  }
0x59: {  	_ =	shalt  }
0x5a: {  	_ =	shalt  }
0x5b: {  	_ =	shalt  }
0x5c: {  	_ =	shalt  }
0x5d: {  	_ =	shalt  }
0x5e: {  	_ =	shalt  }
0x5f: {  	_ =	shalt  }
0x60: {  	_ =	shalt  }
0x61: {  	_ =	shalt  }
0x62: {  	_ =	shalt  }
0x63: {  	_ =	shalt  }
0x64: {  	_ =	shalt  }
0x65: {  	_ =	shalt  }
0x66: {  	_ =	shalt  }
0x67: {  	_ =	shalt  }
0x68: {  	_ =	shalt  }
0x69: {  	_ =	shalt  }
0x6a: {  	_ =	shalt  }
0x6b: {  	_ =	shalt  }
0x6c: {  	_ =	shalt  }
0x6d: {  	_ =	shalt  }
0x6e: {  	_ =	shalt  }
0x6f: {  	_ =	shalt  }
0x70: {  	_ =	shalt  }
0x71: {  	_ =	shalt  }
0x72: {  	_ =	shalt  }
0x73: {  	_ =	shalt  }
0x74: {  	_ =	shalt  }
0x75: {  	_ =	shalt  }
0x76: {  	_ =	shalt  }
0x77: {  	_ =	shalt  }
0x78: {  	_ =	shalt  }
0x79: {  	_ =	shalt  }
0x7a: {  	_ =	shalt  }
0x7b: {  	_ =	shalt  }
0x7c: {  	_ =	shalt  }
0x7d: {  	_ =	shalt  }
0x7e: {  	_ =	shalt  }
0x7f: {  	_ =	shalt  }
0x80: {  	_ =	shalt  }
0x81: {  	_ =	shalt  }
0x82: {  	_ =	shalt  }
0x83: {  	_ =	shalt  }
0x84: {  	_ =	shalt  }
0x85: {  	_ =	shalt  }
0x86: {  	_ =	shalt  }
0x87: {  	_ =	shalt  }
.Lfunc_end0:
.L_simem_size_0:
called_computation_lowered:
.L_overlay_start_0:
0x88: {  	s2 =	sld [smem:$0x3FD9]  }
0x89: {  	s3 =	sld [smem:$0x3FFE];
	_ =	sdelay $0x1  }
0x8a: {  	s1 =	srdreg.scid  }
0x8b: {  	s0 =	sand.u32 $0x1, s1  }
0x8c: {  	s17 =	sshll.u32 s0, $0xA;
	s2 =	sadd.s32 s3, s2  }
0x8d: {  	s2 =	sadd.s32 s2, s17  }
0x8e: {  	[smem:$0x3FC4] =	sst s2  }
0x8f: {  	_ = 	snop  }
0x90: {  	s2 =	sld [smem:$0x3FD0];
	(tm) =	ssettm $0x1  }
0x91: {  	s18 =	sld [smem:$0x3FFB];
	_ =	sdelay $0x3  }
0x92: {  	_ =	strace s18  }
0x93: {  	s3 =	sld [smem:$0x3FFC];
	_ =	sdelay $0x3  }
0x94: {  	_ =	strace s3  }
0x95: {  	s3 =	sld [smem:$0x3FFD];
	_ =	sdelay $0x3  }
0x96: {  	_ =	strace s3  }
0x97: {  	_ =	strace $0x8FFFFFFF  }
0x98: {  	s19 =	sld [smem:$0x3FDB];
	_ =	sdelay $0x1  }
0x99: {  	s4 =	simm.s32 $_scs_section_size  }
0x9a: {  	s5 =	simm.s32 $_size__tile_overlayer_lowered;
	s6 =	simm.s32 $_tile_overlayer_lowered  }
0x9b: {  	s22 =	simm.s32 $0x1BFF;
	s21 =	sshll.u32 s6, $0x1;
	s3 =	sadd.s32 s4, s19  }
0x9c: {  	s7 =	simm.s32 $0x0;
	s20 =	sshll.u32 s5, $0x1;
	s5 =	sadd.s32 s21, s3  }
0x9d: {  	[timem:s7], [sflag:s22] =	dma.local [hbm:s5], s20  }
0x9e: {  	_ =	swait.ge [sflag:s22], s20  }
0x9f: {  	s4 =	ssub.s32 $0x0, s20;
	[sflag:s22] =	ssyncset.done $0x0  }
0xa0: {  	[sflag:s22] =	ssyncadd.s32 s4;
	_ =	sdelay $0x1  }
0xa1: {  	s23 =	simm.s32 $0x1B8B  }
0xa2: {  	_ =	swait.ge [sflag:s23], $0x1  }
0xa3: {  	[sflag:s23] =	ssyncset.done $0x0  }
0xa4: {  	s25 =	simm.s32 $0x1B8E;
	s24 =	sld [smem:$0x3FFE];
	[sflag:s23] =	ssyncadd.s32 $0xFFFFFFFF  }
0xa5: {  	s26 =	simm.s32 $execute0_lowered;
	[smem:$0x3FD2] =	sst s25  }
0xa6: {  	s5 =	sshll.u32 s26, $0x1;
	_ =	strace $0x80000046;
	[dreg:$0x1] =	wrdreg $0xFFFFFFFF  }
0xa7: {  	s28 =	simm.s32 $_size_execute0_lowered;
	s3 =	sadd.s32 s3, s5;
	[dreg:$0x0] =	wrdreg $0x0  }
0xa8: {  	s5 =	sshll.u32 s28, $0x1;
	[dreg:$0x2] =	wrdreg s3  }
0xa9: {  	[dreg:$0x3] =	wrdreg s5  }
0xaa: {  	[dreg:$0x4] =	wrdreg $0xC0  }
0xab: {  	_ =	task [dreg:s7], $0x5FFFF  }
0xac: {  	[dreg:$0x1] =	wrdreg $0xFFFFFFFF  }
0xad: {  	[dreg:$0x0] =	wrdreg $0x60  }
0xae: {  	[dreg:$0x2] =	wrdreg s2  }
0xaf: {  	[dreg:$0x3] =	wrdreg s24  }
0xb0: {  	[dreg:$0x4] =	wrdreg $0x9  }
0xb1: {  	_ =	task.clear_ibuf [dreg:s7], $0x5FFFF;
	_ =	strace $0x90000046  }
0xb2: {  	s29 =	simm.s32 $0x9;
	_ =	strace $0x80000048  }
0xb3: {  	_ =	swait.ge [sflag:s29], $0x1  }
0xb4: {  	[sflag:s29] =	ssyncadd.s32 $0xFFFFFFFF  }
0xb5: {  	_ =	strace $0x90000048  }
0xb6: {  	_ =	sfence  }
0xb7: {  	s30 =	sld [smem:$0x0];
	_ =	sdelay $0x2  }
0xb8: {  	s31 =	sshll.u32 s1, $0xD;
	s1 =	sshrl.u32 s1, $0x2  }
0xb9: {  	s3 =	sand.u32 $0x4000, s31;
	s1 =	sadd.s32 s1, s30  }
0xba: {  	s0 =	sor.u32 s3, s0;
	s1 =	sshll.u32 s1, $0x11  }
0xbb: {  	s0 =	sor.u32 s1, s0  }
0xbc: {  	s0 =	sadd.s32 $0x8F2B, s0  }
0xbd: {  	[sflag:s0] =	ssyncadd.remote.s32 $0x1  }
0xbe: {  	_ =	sfence.sel $0xFFFF  }
0xbf: {  	[dreg:$0x0] =	wrdreg $0xFFFFFFFF;
	(pc) =	sbr.abs _section_cstart, $3  }
0xc0: {  	[dreg:$0x1] =	wrdreg $0xFFFFFFFF  }
0xc1: {  	_ =	task.clear_ibuf [dreg:s7], $0x2FFFF;
	_ =	strace $0x9FFFFFFF  }
0xc2: {  	(tm) =	ssettm $0x7FFFFFFF  }
0xc3: {  	_ =	shalt  }
tec
execute0_lowered:
.L_overlay_start_1:
0x0: {  	(tag) =	ssettag $0x1  }
0x1: {  	s2 =	rddreg [dreg:$0x0];
	s0 =	srdreg.scid  }
0x2: {  	s3 =	stileid.u32;
	s1 =	rddreg [dreg:$0x1];
	s19 =	simm.s32 $0x5  }
0x3: {  	s21 =	simm.s32 $0x3;
	s22 =	simm.s32 $0x12180;
	s23 =	simm.s32 $0x12300  }
0x4: {  	s28 =	simm.s32 $0x2;
	s0 =	sand.u32 $0x1, s0;
	s4 =	sshll.u32 s3, $0x1  }
0x5: {  	s29 =	simm.s32 $0x0;
	s3 =	simm.s32 $0x0;
	s6 =	sor.u32 s0, s4  }
0x6: {  	s5 =	sadd.s32 $0x2800, s1;
	[smem:$0x7FF] =	sst s3;
	s4 =	smul.u32 $0x60, s6  }
0x7: {  	s0 =	ssub.s32 $0x2, s0;
	_ =	strace $0x80000047;
	s8 =	smul.u32 $0x9000, s6  }
0x8: {  	s9 =	smul.u32 $0x1200, s6;
	s6 =	sadd.s32 $0x26C00, s1;
	s24 =	sshrl.u32 s0, $0x1  }
0x9: {  	s0 =	ssub.s32 s0, s24;
	s24 =	simm.s32 $0x4;
	s7 =	sshrl.u32 s4, $0x3  }
0xa: {  	s8 =	sshrl.u32 s8, $0x3;
	s25 =	sadd.s32 s2, s9;
	s30 =	sadd.s32 s5, s9  }
0xb: {  	v0 =	vimm.s32 $0x1000201;
	s13 =	smax.u32 s0, $0x1;
	s7 =	sadd.s32 s7, s1;
	[dreg:$0x3] =	wrdreg s25  }
0xc: {  	v0 =	vunpack.c.0.s8.s32 v0;
	s26 =	sadd.s32 $0x300, s8;
	[dreg:$0x4] =	wrdreg s30;
	s25 =	simm.s32 $0x14300  }
0xd: {  	vm0 =	vcmask $0x1300;
	v1 =	vlaneseq.u32;
	v3 =	vimm.s32 $0x0;
	s31 =	sadd.s32 s2, s26;
	s10 =	sadd.s32 s5, s26;
	s11 =	sadd.s32 $0x26800, s7  }
0xe: {  	v2 =	vadd.s32 $0xFFFFFFFF, v1;
	v4 =	vadd.s32 $0xF, v1;
	v0 =	vnsel vm0, $0x1, v0;
	s12 =	sadd.s32 $0x26A00, s7;
	s26 =	simm.s32 $0x1;
	[dreg:$0x5] =	wrdreg s31  }
.LBB2_1:
0xf: {  	s0 =	rddreg [dreg:$0x3];
	s1 =	simm.s32 $0x10  }
0x10: {  	[tilespmem:s1], [sflag:$0x3] =	stream.linear.gather [hbm4b:s0+s3], $0x1800, $0x38;
	[tilespmem:$0x16300] =	vst v63  }
0x11: {  	s14 =	rddreg [dreg:$0x4];
	s15 =	simm.s32 $0x9010  }
0x12: {  	[tilespmem:s15], [sflag:$0x3] =	stream.linear.gather [hbm4b:s14+s3], $0x1800, $0x38;
	[tilespmem:$0x16300] =	vst v63  }
0x13: {  	s16 =	rddreg [dreg:$0x5];
	s17 =	simm.s32 $0x1810  }
0x14: {  	[tilespmem:s17], [sflag:$0x4] =	stream.linear.gather [hbm4b:s16+s3], $0x1800, $0x38;
	[tilespmem:$0x16300] =	vst v63  }
0x15: {  	s18 =	simm.s32 $0xA810  }
0x16: {  	[tilespmem:s18], [sflag:$0x4] =	stream.linear.gather [hbm4b:s10+s3], $0x1800, $0x38;
	[tilespmem:$0x16300] =	vst v63  }
0x17: {  	s20 =	simm.s32 $0x12080  }
0x18: {  	[tilespmem:s20], [sflag:$0x5] =	stream.linear.gather [hbm4b:s11+s3], $0x60, $0x38;
	[tilespmem:$0x16300] =	vst v63  }
0x19: {  	_ =	swait.ge [sflag:s19], $0x60  }
0x1a: {  	[sflag:s19] =	ssyncset.done $0x0  }
0x1b: {  	s31 =	simm.s32 $0x12100;
	[sflag:s19] =	ssyncadd.s32 $0xFFFFFFA0  }
0x1c: {  	[tilespmem:s31], [sflag:$0x5] =	stream.linear.gather [hbm4b:s12+s3], $0x60, $0x38;
	[tilespmem:$0x16300] =	vst v63  }
0x1d: {  	_ =	swait.ge [sflag:s19], $0x60  }
0x1e: {  	[sflag:s19] =	ssyncset.done $0x0  }
0x1f: {  	[sflag:s19] =	ssyncadd.s32 $0xFFFFFFA0  }
0x20: {  	v5 =	vld [tilespmem:$0x12080]  }
0x21: {  	v6 =	vld [tilespmem:$0x12100]  }
0x22: {  	v7 =	vld [tilespmem:$0x12110]  }
0x23: {  	v10 =	vld [tilespmem:$0x12090]  }
0x24: {  	v11 =	vld [tilespmem:$0x12120]  }
0x25: {  	v13 =	vld [tilespmem:$0x120A0]  }
0x26: {  	v52 =	vld [tilespmem:$0x12130];
	_ =	sdelay $0x1  }
0x27: {  	v8 =	vsub.s32 $0x1FC, v6;
	v9 =	vsub.s32 $0x1FC, v5  }
0x28: {  	v49 =	vsub.s32 $0x1FC, v7;
	v12 =	vsub.s32 $0x1FC, v10;
	v53 =	vsub.s32 $0x1FC, v11  }
0x29: {  	v55 =	vsub.s32 $0x1FC, v13;
	vm0 =	vgt.s32 v8, $0xFE;
	vm1 =	vgt.s32 v9, $0xFE  }
0x2a: {  	v56 =	vsub.s32 $0x1FC, v52;
	v8 =	vnsel vm0, $0xFE, v8;
	v9 =	vnsel vm1, $0xFE, v9  }
0x2b: {  	vm10 =	vgt.s32 v49, $0xFE;
	vm0 =	vlt.s32 v5, v8;
	vm1 =	vlt.s32 v6, v9  }
0x2c: {  	[tilespmem:$0x0] =	vst v0;
	vm11 =	vgt.s32 v12, $0xFE;
	v5 =	vsel vm0, v5, v8;
	v6 =	vsel vm1, v6, v9  }
0x2d: {  	v8 =	vnsel vm10, $0xFE, v49;
	v50 =	vadd.s32 $0x2, v5;
	[tilespmem:$0x12180] =	vst v5;
	v5 =	vadd.s32 v5, v6  }
0x2e: {  	v51 =	vnsel vm11, $0xFE, v12;
	vm12 =	vlt.s32 v10, v8;
	[tilespmem:$0x12240] =	vst v6;
	v5 =	vadd.s32 $0x3, v5  }
0x2f: {  	v54 =	vld [tilespmem:$0x120B0];
	vm13 =	vgt.s32 v53, $0xFE;
	vm0 =	vlt.s32 v7, v51;
	v6 =	vsel vm12, v10, v8;
	[tilespmem:$0x122A0] =	vst v5  }
0x30: {  	v8 =	vnsel vm13, $0xFE, v53;
	v5 =	vsel vm0, v7, v51;
	v7 =	vadd.s32 $0x2, v6;
	[tilespmem:$0x12190] =	vst v6  }
0x31: {  	vm14 =	vgt.s32 v55, $0xFE;
	vm0 =	vlt.s32 v13, v8;
	v6 =	vadd.s32 v6, v5;
	[tilespmem:$0x121F0] =	vst v7  }
0x32: {  	v57 =	vld [tilespmem:$0x12140];
	[tilespmem:$0x12250] =	vst v5;
	v5 =	vsel vm0, v13, v8;
	v7 =	vnsel vm14, $0xFE, v55;
	v6 =	vadd.s32 $0x3, v6  }
0x33: {  	v58 =	vld [tilespmem:$0x120C0];
	vm4 =	vgt.s32 v56, $0xFE;
	vm15 =	vlt.s32 v11, v7;
	[tilespmem:$0x122B0] =	vst v6;
	v6 =	vadd.s32 $0x2, v5  }
0x34: {  	v59 =	vsub.s32 $0x1FC, v54;
	v7 =	vsel vm15, v11, v7;
	[tilespmem:$0x12200] =	vst v6;
	v6 =	vnsel vm4, $0xFE, v56  }
0x35: {  	vm6 =	vgt.s32 v59, $0xFE;
	[tilespmem:$0x121A0] =	vst v5;
	v5 =	vadd.s32 v5, v7;
	vm5 =	vlt.s32 v54, v6  }
0x36: {  	[tilespmem:$0x12260] =	vst v7;
	v7 =	vnsel vm6, $0xFE, v59;
	v5 =	vadd.s32 $0x3, v5;
	v6 =	vsel vm5, v54, v6  }
0x37: {  	v61 =	vld [tilespmem:$0x12150];
	v60 =	vsub.s32 $0x1FC, v57;
	vm7 =	vlt.s32 v52, v7;
	[tilespmem:$0x122C0] =	vst v5;
	v5 =	vadd.s32 $0x2, v6  }
0x38: {  	v62 =	vld [tilespmem:$0x120D0];
	vm8 =	vgt.s32 v60, $0xFE;
	v7 =	vsel vm7, v52, v7;
	[tilespmem:$0x12210] =	vst v5;
	v5 =	vsub.s32 $0x1FC, v58  }
0x39: {  	v8 =	vnsel vm8, $0xFE, v60;
	[tilespmem:$0x121B0] =	vst v6;
	v6 =	vadd.s32 v6, v7;
	vm9 =	vgt.s32 v5, $0xFE  }
0x3a: {  	vm10 =	vlt.s32 v58, v8;
	[tilespmem:$0x12270] =	vst v7;
	v6 =	vadd.s32 $0x3, v6;
	v5 =	vnsel vm9, $0xFE, v5  }
0x3b: {  	[tilespmem:$0x122D0] =	vst v6;
	v6 =	vsel vm10, v58, v8;
	vm11 =	vlt.s32 v57, v5  }
0x3c: {  	v63 =	vsub.s32 $0x1FC, v61;
	[tilespmem:$0x121C0] =	vst v6;
	v7 =	vadd.s32 $0x2, v6;
	v5 =	vsel vm11, v57, v5  }
0x3d: {  	vm12 =	vgt.s32 v63, $0xFE;
	[tilespmem:$0x12220] =	vst v7;
	v7 =	vsub.s32 $0x1FC, v62;
	v6 =	vadd.s32 v6, v5  }
0x3e: {  	vm13 =	vgt.s32 v7, $0xFE;
	[tilespmem:$0x12280] =	vst v5;
	v5 =	vadd.s32 $0x3, v6;
	v6 =	vnsel vm12, $0xFE, v63  }
0x3f: {  	[tilespmem:$0x122E0] =	vst v5;
	v5 =	vnsel vm13, $0xFE, v7;
	vm14 =	vlt.s32 v62, v6  }
0x40: {  	[tilespmem:$0x121E0] =	vst v50;
	v6 =	vsel vm14, v62, v6;
	vm15 =	vlt.s32 v61, v5  }
0x41: {  	v5 =	vsel vm15, v61, v5;
	[tilespmem:$0x121D0] =	vst v6;
	v7 =	vadd.s32 $0x2, v6  }
0x42: {  	[tilespmem:$0x12230] =	vst v7;
	v6 =	vadd.s32 v6, v5  }
0x43: {  	[tilespmem:$0x12290] =	vst v5;
	v5 =	vadd.s32 $0x3, v6  }
0x44: {  	s30 =	simm.s32 $0x0;
	[tilespmem:$0x122F0] =	vst v5  }
.LBB2_2:
0x45: {  	s31 =	sshll.u32 s30, $0x1;
	p0 =	seq.s32 s30, $0x2  }
0x46: {  	_ =	swait.ge [sflag:s21], $0x1800;
	s0 =	sadd.s32 @!p0 $0x2, s31  }
0x47: {  	[sflag:s21] =	ssyncset.done $0x0;
	s1 =	sshll.u32 @!p0 s0, $0x4  }
0x48: {  	[sflag:s21] =	ssyncadd.s32 $0xFFFFE800;
	s0 =	smul.u32 @!p0 $0x6000, s0;
	s1 =	sadd.s32 @!p0 s4, s1  }
0x49: {  	s14 =	simm.s32 @!p0 $0x0;
	_ =	swait.ge [sflag:s21], $0x1800;
	s1 =	smul.u32 @!p0 $0x30, s1  }
0x4a: {  	p1 =	seq.s32 @!p0 s30, $0x0;
	[sflag:s21] =	ssyncset.done $0x0;
	s0 =	sshra.s32 @!p0 s0, $0x2  }
0x4b: {  	[sflag:s21] =	ssyncadd.s32 $0xFFFFE800;
	s7 =	sor.u32 @!p0 $0x10, s0;
	s8 =	sadd.s32 @!p0 s2, s1  }
0x4c: {  	[tilespmem:s7], [sflag:$0x3] =	stream.linear.gather @!p0 [hbm4b:s8+s14], $0x1800, $0x38;
	[tilespmem:$0x16300] =	vst v63  }
0x4d: {  	p1 =	por p0, !p1;
	s0 =	sadd.s32 @!p0 $0x9010, s0;
	s1 =	sadd.s32 @!p0 s5, s1  }
0x4e: {  	[tilespmem:s0], [sflag:$0x3] =	stream.linear.gather @!p0 [hbm4b:s1+s14], $0x1800, $0x38;
	[tilespmem:$0x16300] =	vst v63  }
0x4f: {  	_ =	swait.ge @p1 [sflag:s26], $0x2000  }
0x50: {  	s15 =	simm.s32 $0x0;
	s1 =	sshll.u32 s30, $0x5;
	[sflag:s26] =	ssyncset.done @p1 $0x0  }
0x51: {  	s14 =	simm.s32 $0x0;
	s0 =	sadd.s32 s4, s1;
	[sflag:s26] =	ssyncadd.s32 @p1 $0xFFFFE000  }
.LBB2_3:
0x52: {  	s7 =	sor.u32 s1, s15  }
0x53: {  	v5 =	vmov s7  }
0x54: {  	v6 =	vadd.s32 $0x120, v5  }
0x55: {  	v7 =	vadd.s32 $0x60, v5  }
0x56: {  	v8 =	vadd.s32 $0xC0, v5;
	_ =	sdelay $0x2  }
0x57: {  	v10 =	vld.idx.msk [tilespmem:v6+s22+$0x0], $0xffff  }
0x58: {  	v11 =	vld.idx.msk [tilespmem:v7+s22+$0x0], $0xffff  }
0x59: {  	v9 =	vld.idx.msk [tilespmem:v8+s22+$0x0], $0xffff  }
0x5a: {  	v8 =	vld.idx.msk [tilespmem:v5+s22+$0x0], $0xffff  }
0x5b: {  	s7 =	smul.u32 $0x180, s7  }
0x5c: {  	vm0 =	vgt.u32 v10, v2  }
0x5d: {  	vm14 =	veq.s32 v1, $0x0;
	s8 =	sadd.s32 $0x9010, s7;
	v5 =	vsub.s32 v2, v11;
	v6 =	vsel vm0, $0x1, v3  }
0x5e: {  	s7 =	sor.u32 $0x10, s7;
	vm1 =	vlt.u32 v5, v9;
	v5 =	vadd.s32 s8, v5;
	v6 =	vsel vm14, $0x2, v6  }
0x5f: {  	v7 =	vadd.s32 s7, v2;
	vm15 =	vgt.u32 v8, v2;
	v5 =	vsel vm1, v5, v6  }
0x60: {  	v5 =	vsel vm15, v7, v5;
	_ =	sdelay $0x1  }
0x61: {  	v12 =	vmov s7  }
0x62: {  	v13 =	vmov s8;
	vm4 =	vlt.u32 v4, v10;
	v6 =	vsub.s32 v4, v11  }
0x63: {  	vm5 =	vlt.u32 v6, v9;
	v6 =	vadd.s32 v13, v6;
	v7 =	vsel vm4, $0x1, v3  }
0x64: {  	vm6 =	vlt.u32 v4, v8;
	v6 =	vsel vm5, v6, v7;
	v14 =	vld.idx.msk [tilespmem:v5+s3+$0x0], $0xffff;
	v5 =	vadd.s32 v12, v4  }
0x65: {  	v6 =	vsel vm6, v5, v6;
	_ =	sdelay $0x1  }
0x66: {  	v5 =	vadd.s32 $0x10, v4  }
0x67: {  	s16 =	sshll.u32 s15, $0x9;
	v7 =	vsub.s32 v5, v11;
	vm7 =	vlt.u32 v5, v10  }
0x68: {  	vm8 =	vlt.u32 v7, v9;
	v7 =	vadd.s32 v13, v7;
	[tilespmem:s16+$0x12300] =	vst v14;
	v14 =	vsel vm7, $0x1, v3  }
0x69: {  	vm9 =	vlt.u32 v5, v8;
	v15 =	vld.idx.msk [tilespmem:v6+s3+$0x0], $0xffff;
	v6 =	vadd.s32 v12, v5;
	v7 =	vsel vm8, v7, v14  }
0x6a: {  	s9 =	simm.s32 $0x10;
	v7 =	vsel vm9, v6, v7  }
0x6b: {  	s17 =	sadd.s32 $0x12300, s16;
	s18 =	sand.u32 $0x180, s9  }
0x6c: {  	s7 =	sand.u32 $0x70, s9;
	s8 =	sadd.s32 s18, s17;
	v6 =	vadd.s32 $0x20, v4  }
0x6d: {  	s7 =	sadd.s32 s7, s8;
	v14 =	vsub.s32 v6, v11;
	vm10 =	vlt.u32 v6, v10  }
0x6e: {  	vm11 =	vlt.u32 v14, v9;
	v14 =	vadd.s32 v13, v14;
	[tilespmem:s7+$0x0] =	vst v15;
	v15 =	vsel vm10, $0x1, v3  }
0x6f: {  	vm12 =	vlt.u32 v6, v8;
	v16 =	vld.idx.msk [tilespmem:v7+s3+$0x0], $0xffff;
	v7 =	vadd.s32 v12, v6;
	v14 =	vsel vm11, v14, v15  }
0x70: {  	s7 =	sadd.s32 $0x40, s14;
	v14 =	vsel vm12, v7, v14  }
0x71: {  	s20 =	simm.s32 $0x20;
	s18 =	sadd.s32 $0xFFFFFFE0, s7  }
0x72: {  	s8 =	sand.u32 $0x70, s20;
	v7 =	vadd.s32 $0x30, v4;
	s18 =	sand.u32 $0x3F80, s18  }
0x73: {  	v15 =	vsub.s32 v7, v11;
	vm13 =	vlt.u32 v7, v10;
	s8 =	sor.u32 s8, s18  }
0x74: {  	vm14 =	vlt.u32 v15, v9;
	v15 =	vadd.s32 v13, v15;
	v17 =	vsel vm13, $0x1, v3;
	[tilespmem:s8+$0x12300] =	vst v16  }
0x75: {  	vm15 =	vlt.u32 v7, v8;
	v18 =	vadd.s32 v12, v7;
	v15 =	vsel vm14, v15, v17;
	v16 =	vld.idx.msk [tilespmem:v14+s3+$0x0], $0xffff  }
0x76: {  	s9 =	simm.s32 $0x30;
	s20 =	sadd.s32 $0xFFFFFFF0, s7;
	v17 =	vsel vm15, v18, v15  }
0x77: {  	s9 =	sand.u32 $0x70, s9;
	s8 =	sand.u32 $0x3F80, s20  }
0x78: {  	s18 =	simm.s32 $0x40;
	s20 =	simm.s32 $0x1;
	v15 =	vadd.s32 $0x40, v4;
	s8 =	sor.u32 s9, s8  }
.LBB2_4:
0x79: {  	v14 =	vmov v15  }
0x7a: {  	v18 =	vsub.s32 v15, v11;
	vm0 =	vlt.u32 v15, v10;
	s20 =	sadd.s32 $0x4, s20;
	[tilespmem:s8+$0x12300] =	vst v16  }
0x7b: {  	vm1 =	vlt.u32 v18, v9;
	v16 =	vadd.s32 v13, v18;
	v18 =	vsel vm0, $0x1, v3;
	p2 =	slt.u32 s20, $0x19;
	v17 =	vld.idx.msk [tilespmem:v17+s3+$0x0], $0xffff  }
0x7c: {  	v19 =	vadd.s32 v12, v15;
	vm0 =	vlt.u32 v15, v8;
	v16 =	vsel vm1, v16, v18  }
0x7d: {  	v16 =	vsel vm0, v19, v16;
	_ =	sdelay $0x1  }
0x7e: {  	s7 =	sand.u32 $0x3F80, s7;
	s8 =	sand.u32 $0x70, s18  }
0x7f: {  	v18 =	vadd.s32 $0x10, v15;
	s7 =	sor.u32 s8, s7  }
0x80: {  	v19 =	vsub.s32 v18, v11;
	vm0 =	vlt.u32 v18, v10;
	[tilespmem:s7+$0x12300] =	vst v17  }
0x81: {  	vm1 =	vlt.u32 v19, v9;
	v17 =	vadd.s32 v13, v19;
	v19 =	vsel vm0, $0x1, v3;
	v16 =	vld.idx.msk [tilespmem:v16+s3+$0x0], $0xffff  }
0x82: {  	s18 =	sadd.s32 $0x40, s18;
	vm0 =	vlt.u32 v18, v8;
	v18 =	vadd.s32 v12, v18;
	v17 =	vsel vm1, v17, v19  }
0x83: {  	s7 =	sadd.s32 $0xFFFFFFD0, s18;
	v17 =	vsel vm0, v18, v17  }
0x84: {  	s8 =	sand.u32 $0x180, s7  }
0x85: {  	s7 =	sand.u32 $0x70, s7;
	s8 =	sadd.s32 s8, s17  }
0x86: {  	v18 =	vadd.s32 $0x20, v15;
	s7 =	sadd.s32 s7, s8  }
0x87: {  	vm0 =	vlt.u32 v18, v10;
	[tilespmem:s7+$0x0] =	vst v16;
	v16 =	vsub.s32 v18, v11  }
0x88: {  	v19 =	vsel vm0, $0x1, v3;
	v17 =	vld.idx.msk [tilespmem:v17+s3+$0x0], $0xffff;
	vm1 =	vlt.u32 v16, v9;
	v16 =	vadd.s32 v13, v16  }
0x89: {  	vm0 =	vlt.u32 v18, v8;
	v18 =	vadd.s32 v12, v18;
	v16 =	vsel vm1, v16, v19  }
0x8a: {  	s7 =	sadd.s32 s18, s14;
	v16 =	vsel vm0, v18, v16  }
0x8b: {  	s8 =	sadd.s32 $0xFFFFFFE0, s18;
	s9 =	sadd.s32 $0xFFFFFFE0, s7  }
0x8c: {  	s8 =	sand.u32 $0x70, s8;
	s9 =	sand.u32 $0x3F80, s9  }
0x8d: {  	s8 =	sor.u32 s8, s9;
	v18 =	vadd.s32 $0x30, v15  }
0x8e: {  	vm0 =	vlt.u32 v18, v10;
	[tilespmem:s8+$0x12300] =	vst v17;
	v17 =	vsub.s32 v18, v11  }
0x8f: {  	v19 =	vsel vm0, $0x1, v3;
	v16 =	vld.idx.msk [tilespmem:v16+s3+$0x0], $0xffff;
	vm1 =	vlt.u32 v17, v9;
	v17 =	vadd.s32 v13, v17  }
.Ltmp0:
0x90: {  	vm0 =	vlt.u32 v18, v8;
	v18 =	vadd.s32 v12, v18;
	v17 =	vsel vm1, v17, v19;
	(pc) =	sbr.rel @p2 .LBB2_4-.Ltmp0, $4  }
0x91: {  	v17 =	vsel vm0, v18, v17  }
0x92: {  	s9 =	sadd.s32 $0xFFFFFFF0, s7;
	s8 =	sadd.s32 $0xFFFFFFF0, s18  }
0x93: {  	s9 =	sand.u32 $0x3F80, s9;
	s8 =	sand.u32 $0x70, s8  }
0x94: {  	v15 =	vadd.s32 $0x40, v15;
	s8 =	sor.u32 s8, s9  }
0x95: {  	_ =	sdelay $0x1  }
0x96: {  	v18 =	vsub.s32 v15, v11;
	vm0 =	vlt.u32 v15, v10  }
0x97: {  	[tilespmem:s8+$0x12300] =	vst v16;
	vm1 =	vlt.u32 v18, v9;
	v53 =	vadd.s32 v13, v18;
	v54 =	vsel vm0, $0x1, v3  }
0x98: {  	vm9 =	vlt.u32 v15, v8;
	v55 =	vadd.s32 v12, v15;
	v17 =	vld.idx.msk [tilespmem:v17+s3+$0x0], $0xffff;
	v16 =	vsel vm1, v53, v54  }
0x99: {  	v15 =	vsel vm9, v55, v16;
	_ =	sdelay $0x1  }
0x9a: {  	s7 =	sand.u32 $0x3F80, s7;
	s20 =	sand.u32 $0x70, s18;
	v56 =	vadd.s32 $0x50, v14  }
0x9b: {  	s7 =	sor.u32 s20, s7;
	v57 =	vsub.s32 v56, v11;
	vm10 =	vlt.u32 v56, v10  }
0x9c: {  	vm11 =	vlt.u32 v57, v9;
	v58 =	vadd.s32 v13, v57;
	v59 =	vsel vm10, $0x1, v3;
	[tilespmem:s7+$0x12300] =	vst v17  }
0x9d: {  	vm12 =	vlt.u32 v56, v8;
	v16 =	vadd.s32 v12, v56;
	v17 =	vsel vm11, v58, v59;
	v15 =	vld.idx.msk [tilespmem:v15+s3+$0x0], $0xffff  }
0x9e: {  	v16 =	vsel vm12, v16, v17;
	_ =	sdelay $0x1  }
0x9f: {  	v60 =	vadd.s32 $0x60, v14  }
0xa0: {  	v61 =	vsub.s32 v60, v11;
	vm13 =	vlt.u32 v60, v10  }
0xa1: {  	vm14 =	vlt.u32 v61, v9;
	v62 =	vadd.s32 v13, v61;
	v10 =	vsel vm13, $0x1, v3;
	[tilespmem:s16+$0x124D0] =	vst v15  }
0xa2: {  	vm15 =	vlt.u32 v60, v8;
	v8 =	vadd.s32 v12, v60;
	v9 =	vsel vm14, v62, v10;
	v63 =	vld.idx.msk [tilespmem:v16+s3+$0x0], $0xffff  }
0xa3: {  	v8 =	vsel vm15, v8, v9;
	_ =	sdelay $0x3  }
0xa4: {  	s15 =	sadd.s32 $0x1, s15;
	[tilespmem:s16+$0x124E0] =	vst v63  }
0xa5: {  	p2 =	sne.s32 s15, $0x10;
	v8 =	vld.idx.msk [tilespmem:v8+s3+$0x0], $0xffff  }
.Ltmp1:
0xa6: {  	_ = 	snop;
	(pc) =	sbr.rel @p2 .LBB2_3-.Ltmp1, $2  }
0xa7: {  	_ =	sdelay $0x2  }
0xa8: {  	s14 =	sadd.s32 $0x200, s14;
	[tilespmem:s16+$0x124F0] =	vst v8  }
0xa9: {  	s0 =	sshll.u32 s0, $0x6  }
0xaa: {  	s0 =	sadd.s32 s6, s0  }
0xab: {  	[hbm4b:s0+s3] =	stream.linear.scatter [tilespmem:s23], [sflag:$0x1], $0x2000, $0x38;
	[tilespmem:$0x16300] =	vst v63  }
0xac: {  	s0 =	sadd.s32 @!p0 $0x3, s31;
	_ =	swait.ge [sflag:s24], $0x1800  }
0xad: {  	s7 =	sshll.u32 @!p0 s0, $0x4;
	[sflag:s24] =	ssyncset.done $0x0  }
0xae: {  	s0 =	smul.u32 @!p0 $0x6000, s0;
	s7 =	sadd.s32 @!p0 s4, s7;
	[sflag:s24] =	ssyncadd.s32 $0xFFFFE800  }
0xaf: {  	s7 =	smul.u32 @!p0 $0x30, s7;
	_ =	swait.ge [sflag:s24], $0x1800  }
0xb0: {  	s14 =	simm.s32 @!p0 $0x0;
	s0 =	sshra.s32 @!p0 s0, $0x2;
	[sflag:s24] =	ssyncset.done $0x0  }
0xb1: {  	s8 =	sor.u32 @!p0 $0x10, s0;
	s9 =	sadd.s32 @!p0 s2, s7;
	[sflag:s24] =	ssyncadd.s32 $0xFFFFE800  }
0xb2: {  	[tilespmem:s8], [sflag:$0x4] =	stream.linear.gather @!p0 [hbm4b:s9+s14], $0x1800, $0x38;
	[tilespmem:$0x16300] =	vst v63  }
0xb3: {  	s0 =	sadd.s32 @!p0 $0x9010, s0;
	s7 =	sadd.s32 @!p0 s5, s7  }
0xb4: {  	[tilespmem:s0], [sflag:$0x4] =	stream.linear.gather @!p0 [hbm4b:s7+s14], $0x1800, $0x38;
	[tilespmem:$0x16300] =	vst v63  }
0xb5: {  	_ =	swait.ge @p1 [sflag:s28], $0x2000  }
0xb6: {  	s1 =	sor.u32 $0x10, s1;
	s15 =	simm.s32 $0x0;
	[sflag:s28] =	ssyncset.done @p1 $0x0  }
0xb7: {  	s0 =	sadd.s32 s4, s1;
	s14 =	simm.s32 $0x0;
	[sflag:s28] =	ssyncadd.s32 @p1 $0xFFFFE000  }
.LBB2_7:
0xb8: {  	s7 =	sor.u32 s1, s15  }
0xb9: {  	v8 =	vmov s7  }
0xba: {  	v9 =	vadd.s32 $0x120, v8  }
0xbb: {  	v11 =	vadd.s32 $0x60, v8  }
0xbc: {  	v12 =	vadd.s32 $0xC0, v8;
	_ =	sdelay $0x2  }
0xbd: {  	v10 =	vld.idx.msk [tilespmem:v9+s22+$0x0], $0xffff  }
0xbe: {  	v11 =	vld.idx.msk [tilespmem:v11+s22+$0x0], $0xffff  }
0xbf: {  	v9 =	vld.idx.msk [tilespmem:v12+s22+$0x0], $0xffff  }
0xc0: {  	v8 =	vld.idx.msk [tilespmem:v8+s22+$0x0], $0xffff  }
0xc1: {  	s7 =	smul.u32 $0x180, s7  }
0xc2: {  	vm0 =	vgt.u32 v10, v2  }
0xc3: {  	vm14 =	veq.s32 v1, $0x0;
	s8 =	sadd.s32 $0x9010, s7;
	v12 =	vsub.s32 v2, v11;
	v13 =	vsel vm0, $0x1, v3  }
0xc4: {  	s7 =	sor.u32 $0x10, s7;
	vm1 =	vlt.u32 v12, v9;
	v12 =	vadd.s32 s8, v12;
	v13 =	vsel vm14, $0x2, v13  }
0xc5: {  	v14 =	vadd.s32 s7, v2;
	vm15 =	vgt.u32 v8, v2;
	v12 =	vsel vm1, v12, v13  }
0xc6: {  	v14 =	vsel vm15, v14, v12;
	_ =	sdelay $0x1  }
0xc7: {  	v15 =	vsub.s32 v4, v11  }
0xc8: {  	vm4 =	vlt.u32 v4, v10;
	vm5 =	vlt.u32 v15, v9;
	v13 =	vmov s8  }
0xc9: {  	v16 =	vsel vm4, $0x1, v3;
	v12 =	vmov s7;
	v15 =	vadd.s32 v13, v15  }
0xca: {  	vm6 =	vlt.u32 v4, v8;
	v17 =	vadd.s32 v12, v4;
	v15 =	vsel vm5, v15, v16;
	v14 =	vld.idx.msk [tilespmem:v14+s3+$0x0], $0xffff  }
0xcb: {  	v15 =	vsel vm6, v17, v15;
	_ =	sdelay $0x2  }
0xcc: {  	s16 =	sshll.u32 s15, $0x9;
	vm7 =	vlt.u32 v5, v10;
	v16 =	vsub.s32 v5, v11  }
0xcd: {  	vm8 =	vlt.u32 v16, v9;
	[tilespmem:s16+$0x14300] =	vst v14;
	v14 =	vadd.s32 v13, v16;
	v16 =	vsel vm7, $0x1, v3  }
0xce: {  	vm9 =	vlt.u32 v5, v8;
	v17 =	vadd.s32 v12, v5;
	v15 =	vld.idx.msk [tilespmem:v15+s3+$0x0], $0xffff;
	v14 =	vsel vm8, v14, v16  }
0xcf: {  	s8 =	simm.s32 $0x10;
	v14 =	vsel vm9, v17, v14  }
0xd0: {  	s17 =	sadd.s32 $0x14300, s16;
	s9 =	sand.u32 $0x180, s8  }
0xd1: {  	s7 =	sand.u32 $0x70, s8;
	s8 =	sadd.s32 s9, s17  }
0xd2: {  	vm10 =	vlt.u32 v6, v10;
	s7 =	sadd.s32 s7, s8;
	v16 =	vsub.s32 v6, v11  }
0xd3: {  	vm11 =	vlt.u32 v16, v9;
	[tilespmem:s7+$0x0] =	vst v15;
	v15 =	vadd.s32 v13, v16;
	v16 =	vsel vm10, $0x1, v3  }
0xd4: {  	vm12 =	vlt.u32 v6, v8;
	v17 =	vadd.s32 v12, v6;
	v14 =	vld.idx.msk [tilespmem:v14+s3+$0x0], $0xffff;
	v15 =	vsel vm11, v15, v16  }
0xd5: {  	s20 =	sadd.s32 $0x2040, s14;
	v15 =	vsel vm12, v17, v15  }
0xd6: {  	s18 =	simm.s32 $0x20;
	s9 =	sadd.s32 $0xFFFFFFE0, s20  }
0xd7: {  	s8 =	sand.u32 $0x7F80, s9;
	s7 =	sand.u32 $0x70, s18  }
0xd8: {  	vm13 =	vlt.u32 v7, v10;
	v16 =	vsub.s32 v7, v11;
	s7 =	sor.u32 s7, s8  }
0xd9: {  	vm14 =	vlt.u32 v16, v9;
	v16 =	vadd.s32 v13, v16;
	v17 =	vsel vm13, $0x1, v3;
	[tilespmem:s7+$0x12300] =	vst v14  }
0xda: {  	vm15 =	vlt.u32 v7, v8;
	v17 =	vsel vm14, v16, v17;
	v14 =	vadd.s32 v12, v7;
	v16 =	vld.idx.msk [tilespmem:v15+s3+$0x0], $0xffff  }
0xdb: {  	s9 =	sadd.s32 $0xFFFFFFF0, s20;
	s18 =	simm.s32 $0x30;
	v17 =	vsel vm15, v14, v17  }
0xdc: {  	s9 =	sand.u32 $0x7F80, s9;
	s8 =	sand.u32 $0x70, s18  }
0xdd: {  	s31 =	simm.s32 $0x1;
	s18 =	simm.s32 $0x2040;
	s7 =	sor.u32 s8, s9;
	v15 =	vadd.s32 $0x40, v4  }
.LBB2_8:
0xde: {  	v14 =	vmov v15  }
0xdf: {  	v18 =	vsub.s32 v15, v11;
	vm0 =	vlt.u32 v15, v10;
	s31 =	sadd.s32 $0x4, s31;
	[tilespmem:s7+$0x12300] =	vst v16  }
0xe0: {  	vm1 =	vlt.u32 v18, v9;
	v16 =	vadd.s32 v13, v18;
	v18 =	vsel vm0, $0x1, v3;
	p0 =	slt.u32 s31, $0x19;
	v17 =	vld.idx.msk [tilespmem:v17+s3+$0x0], $0xffff  }
0xe1: {  	v19 =	vadd.s32 v12, v15;
	vm0 =	vlt.u32 v15, v8;
	v16 =	vsel vm1, v16, v18  }
0xe2: {  	v16 =	vsel vm0, v19, v16  }
0xe3: {  	s7 =	sadd.s32 $0xFFFFE000, s18  }
0xe4: {  	s8 =	sand.u32 $0x7F80, s20;
	s7 =	sand.u32 $0x70, s7  }
0xe5: {  	v18 =	vadd.s32 $0x10, v15;
	s7 =	sor.u32 s7, s8  }
0xe6: {  	v19 =	vsub.s32 v18, v11;
	vm0 =	vlt.u32 v18, v10;
	[tilespmem:s7+$0x12300] =	vst v17  }
0xe7: {  	vm1 =	vlt.u32 v19, v9;
	v17 =	vadd.s32 v13, v19;
	v19 =	vsel vm0, $0x1, v3;
	v16 =	vld.idx.msk [tilespmem:v16+s3+$0x0], $0xffff  }
0xe8: {  	s18 =	sadd.s32 $0x40, s18;
	vm0 =	vlt.u32 v18, v8;
	v18 =	vadd.s32 v12, v18;
	v17 =	vsel vm1, v17, v19  }
0xe9: {  	s7 =	sadd.s32 $0xFFFFDFD0, s18;
	v17 =	vsel vm0, v18, v17  }
0xea: {  	s8 =	sand.u32 $0x180, s7  }
0xeb: {  	s7 =	sand.u32 $0x70, s7;
	s8 =	sadd.s32 s8, s17  }
0xec: {  	v18 =	vadd.s32 $0x20, v15;
	s7 =	sadd.s32 s7, s8  }
0xed: {  	vm0 =	vlt.u32 v18, v10;
	[tilespmem:s7+$0x0] =	vst v16;
	v16 =	vsub.s32 v18, v11  }
0xee: {  	v19 =	vsel vm0, $0x1, v3;
	v17 =	vld.idx.msk [tilespmem:v17+s3+$0x0], $0xffff;
	vm1 =	vlt.u32 v16, v9;
	v16 =	vadd.s32 v13, v16  }
0xef: {  	vm0 =	vlt.u32 v18, v8;
	v18 =	vadd.s32 v12, v18;
	v16 =	vsel vm1, v16, v19  }
0xf0: {  	s20 =	sadd.s32 s18, s14;
	v16 =	vsel vm0, v18, v16  }
0xf1: {  	s8 =	sadd.s32 $0xFFFFFFE0, s20;
	s7 =	sadd.s32 $0xFFFFDFE0, s18  }
0xf2: {  	s8 =	sand.u32 $0x7F80, s8;
	s7 =	sand.u32 $0x70, s7  }
0xf3: {  	s7 =	sor.u32 s7, s8;
	v18 =	vadd.s32 $0x30, v15  }
0xf4: {  	vm0 =	vlt.u32 v18, v10;
	[tilespmem:s7+$0x12300] =	vst v17;
	v17 =	vsub.s32 v18, v11  }
0xf5: {  	v19 =	vsel vm0, $0x1, v3;
	v16 =	vld.idx.msk [tilespmem:v16+s3+$0x0], $0xffff;
	vm1 =	vlt.u32 v17, v9;
	v17 =	vadd.s32 v13, v17  }
.Ltmp2:
0xf6: {  	vm0 =	vlt.u32 v18, v8;
	v18 =	vadd.s32 v12, v18;
	v17 =	vsel vm1, v17, v19;
	(pc) =	sbr.rel @p0 .LBB2_8-.Ltmp2, $4  }
0xf7: {  	v17 =	vsel vm0, v18, v17  }
0xf8: {  	s8 =	sadd.s32 $0xFFFFFFF0, s20;
	s7 =	sadd.s32 $0xFFFFDFF0, s18  }
0xf9: {  	s8 =	sand.u32 $0x7F80, s8;
	s7 =	sand.u32 $0x70, s7  }
0xfa: {  	v15 =	vadd.s32 $0x40, v15;
	s7 =	sor.u32 s7, s8  }
0xfb: {  	_ =	sdelay $0x1  }
0xfc: {  	v18 =	vsub.s32 v15, v11;
	vm0 =	vlt.u32 v15, v10  }
0xfd: {  	[tilespmem:s7+$0x12300] =	vst v16;
	vm1 =	vlt.u32 v18, v9;
	v53 =	vadd.s32 v13, v18;
	v54 =	vsel vm0, $0x1, v3  }
0xfe: {  	vm9 =	vlt.u32 v15, v8;
	v55 =	vadd.s32 v12, v15;
	v17 =	vld.idx.msk [tilespmem:v17+s3+$0x0], $0xffff;
	v16 =	vsel vm1, v53, v54  }
0xff: {  	v15 =	vsel vm9, v55, v16  }
0x100: {  	s31 =	sadd.s32 $0xFFFFE000, s18  }
0x101: {  	s8 =	sand.u32 $0x7F80, s20;
	v56 =	vadd.s32 $0x50, v14;
	s7 =	sand.u32 $0x70, s31  }
0x102: {  	v57 =	vsub.s32 v56, v11;
	vm10 =	vlt.u32 v56, v10;
	s7 =	sor.u32 s7, s8  }
0x103: {  	vm11 =	vlt.u32 v57, v9;
	v58 =	vadd.s32 v13, v57;
	v59 =	vsel vm10, $0x1, v3;
	[tilespmem:s7+$0x12300] =	vst v17  }
0x104: {  	vm12 =	vlt.u32 v56, v8;
	v16 =	vadd.s32 v12, v56;
	v17 =	vsel vm11, v58, v59;
	v15 =	vld.idx.msk [tilespmem:v15+s3+$0x0], $0xffff  }
0x105: {  	v16 =	vsel vm12, v16, v17;
	_ =	sdelay $0x1  }
0x106: {  	v60 =	vadd.s32 $0x60, v14  }
0x107: {  	v61 =	vsub.s32 v60, v11;
	vm13 =	vlt.u32 v60, v10  }
0x108: {  	vm14 =	vlt.u32 v61, v9;
	v62 =	vadd.s32 v13, v61;
	v10 =	vsel vm13, $0x1, v3;
	[tilespmem:s16+$0x144D0] =	vst v15  }
0x109: {  	vm15 =	vlt.u32 v60, v8;
	v8 =	vadd.s32 v12, v60;
	v9 =	vsel vm14, v62, v10;
	v63 =	vld.idx.msk [tilespmem:v16+s3+$0x0], $0xffff  }
0x10a: {  	v8 =	vsel vm15, v8, v9;
	_ =	sdelay $0x3  }
0x10b: {  	s15 =	sadd.s32 $0x1, s15;
	[tilespmem:s16+$0x144E0] =	vst v63  }
0x10c: {  	p0 =	sne.s32 s15, $0x10;
	v8 =	vld.idx.msk [tilespmem:v8+s3+$0x0], $0xffff  }
.Ltmp3:
0x10d: {  	_ = 	snop;
	(pc) =	sbr.rel @p0 .LBB2_7-.Ltmp3, $2  }
0x10e: {  	_ =	sdelay $0x2  }
0x10f: {  	s14 =	sadd.s32 $0x200, s14;
	[tilespmem:s16+$0x144F0] =	vst v8  }
0x110: {  	s30 =	sadd.s32 $0x1, s30  }
0x111: {  	p0 =	sne.s32 s30, $0x3  }
.Ltmp4:
0x112: {  	_ = 	snop;
	(pc) =	sbr.rel @p0 .LBB2_2-.Ltmp4, $4  }
0x113: {  	s0 =	sshll.u32 s0, $0x6  }
0x114: {  	s0 =	sand.u32 $0x1FFFFC00, s0  }
0x115: {  	s0 =	sadd.s32 s6, s0  }
0x116: {  	[hbm4b:s0+s3] =	stream.linear.scatter [tilespmem:s25], [sflag:$0x2], $0x2000, $0x38;
	[tilespmem:$0x16300] =	vst v63  }
0x117: {  	s29 =	sadd.s32 $0x1, s29  }
0x118: {  	_ =	swait.ge [sflag:s26], $0x2000;
	p0 =	sne.s32 s29, s13  }
.Ltmp5:
0x119: {  	[sflag:s26] =	ssyncset.done $0x0;
	(pc) =	sbr.rel @p0 .LBB2_1-.Ltmp5, $4  }
0x11a: {  	[sflag:s26] =	ssyncadd.s32 $0xFFFFE000  }
0x11b: {  	_ =	swait.ge [sflag:s28], $0x2000  }
0x11c: {  	[sflag:s28] =	ssyncset.done $0x0  }
0x11d: {  	[sflag:s28] =	ssyncadd.s32 $0xFFFFE000  }
0x11e: {  	_ =	sfence.sel $0x180000  }
0x11f: {  	[bflag:$0x0] =	sbarrier.arrive $0xFFFF  }
0x120: {  	_ =	strace $0x90000047  }
0x121: {  	s0 =	stileid.u32;
	[bflag:$0x2] =	sbarrier.arrive $0xFFFF  }
0x122: {  	p0 =	sne.s32 s0, $0x0;
	s0 =	rddreg [dreg:$0x2]  }
0x123: {  	s0 =	sadd.s32 @!p0 $0x100000, s0  }
0x124: {  	[sflag:s0] =	ssyncadd.tile.s32 @!p0 $0x1;
	_ =	shalt  }
.Lfunc_end2:
_tile_overlayer_lowered:
.L_overlay_start_2:
0x125: {  	(tag) =	ssettag $0x2  }
0x126: {  	s0 =	rddreg [dreg:$0x0];
	s2 =	stileid.u32  }
0x127: {  	s1 =	rddreg [dreg:$0x1];
	p0 =	sne.s32 s2, $0x0  }
0x128: {  	s3 =	rddreg [dreg:$0x2];
	[bflag:$0x3] =	sbarrier.arrive $0xFFFF;
	s2 =	simm.s32 @!p0 $0x1C05  }
0x129: {  	[timem:s3], [sflag:s2] =	dma.local @!p0 [hbm:s0], s1  }
0x12a: {  	s0 =	simm.s32 @!p0 $0x5  }
0x12b: {  	_ =	swait.ge @!p0 [sflag:s0], s1  }
0x12c: {  	s1 =	ssub.s32 @!p0 $0x0, s1;
	[sflag:s0] =	ssyncset.done @!p0 $0x0  }
0x12d: {  	[sflag:s0] =	ssyncadd.s32 @!p0 s1  }
0x12e: {  	[bflag:$0x3] =	sbarrier.arrive $0xFFFF  }
0x12f: {  	_ =	shalt  }

</sc_bundles>
